<compile_context>
chip_gen: v7x
topology: tpu7x:2x2x1
jax: 0.10.2.dev20260603
libtpu: 0.0.44.dev20260713+nightly
codegen_flags: <defaults>
</compile_context>

<pallas_src>
import functools

import jax
import jax.numpy as jnp
from jax import lax
from jax.experimental import pallas as pl
from jax.experimental.pallas import tpu as pltpu
from jax.experimental.pallas import tpu_sc as plsc

_LANES = 16


def kernel(x, pe_weight):
    batch, seq_len, d_model = x.shape
    pe = pe_weight[:seq_len]
    n_pe = seq_len * d_model
    info = plsc.get_sparse_core_info()
    nw = info.num_cores * info.num_subcores
    per_w = n_pe // nw
    ch = 32768
    n_ch = per_w // ch
    n_vec = ch // _LANES
    n_items = n_ch * batch

    mesh = plsc.VectorSubcoreMesh(core_axis_name="c", subcore_axis_name="s")

    @functools.partial(
        pl.kernel,
        out_type=jax.ShapeDtypeStruct((batch * n_pe,), jnp.float32),
        mesh=mesh,
        scratch_types=[
            pltpu.VMEM((2, ch), jnp.float32),
            pltpu.VMEM((ch,), jnp.float32),
            pltpu.SemaphoreType.DMA,
            pltpu.SemaphoreType.DMA,
            pltpu.SemaphoreType.DMA,
            pltpu.SemaphoreType.DMA,
        ],
    )
    def sc_add(x_hbm, pe_hbm, out_hbm, xbufs, pebuf, ld0, ld1, st0, st1):
        wid = lax.axis_index("s") * info.num_cores + lax.axis_index("c")
        pbase = wid * per_w
        ld = (ld0, ld1)
        st = (st0, st1)

        def xoff(t):
            j = t // batch
            b = t % batch
            return b * n_pe + pbase + j * ch

        pltpu.make_async_copy(
            x_hbm.at[pl.ds(xoff(0), ch)], xbufs.at[0], ld0
        ).start()

        def item_body(t, carry):
            kcur = t % 2
            knxt = (t + 1) % 2

            @pl.when(t + 1 < n_items)
            def _():
                @pl.when(t >= 1)
                def _():
                    for k in range(2):
                        @pl.when(knxt == k)
                        def _():
                            pltpu.make_async_copy(
                                xbufs.at[k],
                                out_hbm.at[pl.ds(xoff(t - 1), ch)],
                                st[k],
                            ).wait()

                for k in range(2):
                    @pl.when(knxt == k)
                    def _():
                        pltpu.make_async_copy(
                            x_hbm.at[pl.ds(xoff(t + 1), ch)],
                            xbufs.at[k],
                            ld[k],
                        ).start()

            @pl.when(t % batch == 0)
            def _():
                pltpu.sync_copy(pe_hbm.at[pl.ds(pbase + (t // batch) * ch, ch)], pebuf)

            for k in range(2):
                @pl.when(kcur == k)
                def _():
                    pltpu.make_async_copy(
                        x_hbm.at[pl.ds(xoff(t), ch)], xbufs.at[k], ld[k]
                    ).wait()

                    def vec_body(i, carry3):
                        sl = pl.ds(i * _LANES, _LANES)
                        xbufs.at[k][sl] = xbufs.at[k][sl] + pebuf[sl]
                        return carry3

                    lax.fori_loop(0, n_vec, vec_body, 0, unroll=8)

                    pltpu.make_async_copy(
                        xbufs.at[k],
                        out_hbm.at[pl.ds(xoff(t), ch)],
                        st[k],
                    ).start()

            return carry

        lax.fori_loop(0, n_items, item_body, 0)

        k_last = (n_items - 1) % 2
        pltpu.make_async_copy(
            xbufs.at[k_last],
            out_hbm.at[pl.ds(xoff(n_items - 1), ch)],
            st[k_last],
        ).wait()

    out = sc_add(x.reshape(-1), pe.reshape(-1))
    return out.reshape(batch, seq_len, d_model)

# --- scband reference (transcript-rebuilt; emitter-appended) ---
"""Pipeline reference for scband-learned-positional-encoding-38637525795171 (READ-ONLY COPY).

The authoritative reference and input builder live on the scoring server;
editing this copy changes nothing except your own understanding.
"""

import jax, jax.numpy as jnp
import numpy as np

BATCH = 4
SEQ_LEN = 8192
D_MODEL = 1024
MAX_LEN = 8192

def setup_inputs(seed: int = 0) -> dict:
    key = jax.random.key(seed)
    k_x, k_pe = jax.random.split(key)
    x = jax.random.normal(k_x, (BATCH, SEQ_LEN, D_MODEL), dtype=jnp.float32)
    pe_weight = jax.random.normal(k_pe, (MAX_LEN, D_MODEL), dtype=jnp.float32) * 0.02
    return {"x": x, "pe_weight": pe_weight}

def reference(x, pe_weight):
    batch_size, seq_len, d_model = x.shape
    positions = jnp.arange(seq_len, dtype=jnp.int32)
    positions = jnp.broadcast_to(positions[None, :], (batch_size, seq_len))
    pos_emb = jnp.take(pe_weight, positions, axis=0)  # [B, S, D]
    out = x + pos_emb
    # dropout in eval mode is identity
    return out

if __name__ == "__main__":
    import jax
    _d = setup_inputs()
    print(jax.jit(kernel)(*tuple(_d.values())))

</pallas_src>

<mosaic_0001>
#map = affine_map<(d0, d1) -> (0)>
module attributes {stable_mosaic.version = 14 : i64} {
  func.func @sc_add(%arg0: i32, %arg1: i32, %arg2: memref<33554432xf32, #tpu.memory_space<hbm>>, %arg3: memref<8388608xf32, #tpu.memory_space<hbm>>, %arg4: memref<33554432xf32, #tpu.memory_space<hbm>>, %arg5: memref<2x32768xf32, #tpu.memory_space<vmem>>, %arg6: memref<32768xf32, #tpu.memory_space<vmem>>, %arg7: memref<!tpu.dma_semaphore, #tpu.memory_space<semaphore_mem>>, %arg8: memref<!tpu.dma_semaphore, #tpu.memory_space<semaphore_mem>>, %arg9: memref<!tpu.dma_semaphore, #tpu.memory_space<semaphore_mem>>, %arg10: memref<!tpu.dma_semaphore, #tpu.memory_space<semaphore_mem>>) attributes {dimension_semantics = [#tpu.dimension_semantics<core_parallel>, #tpu.dimension_semantics<subcore_parallel>], iteration_bounds = array<i64: 2, 16>, scalar_prefetch = 0 : i64, scratch_operands = 6 : i64, tpu.core_type = #tpu.core_type<sc_vector_subcore>, window_params = [{transform_indices = #map}, {transform_indices = #map}, {transform_indices = #map}]} {
    %mul3A = arith.constant 2 : i32
    %mul3A_0 = arith.muli %arg1, %mul3A : i32
    %add3A = arith.addi %mul3A_0, %arg0 : i32
    %mul3A_1 = arith.constant 262144 : i32
    %mul3A_2 = arith.muli %add3A, %mul3A_1 : i32
    %add3A_3 = arith.constant 0 : i32
    %add3A_4 = arith.addi %add3A_3, %mul3A_2 : i32
    %add3A_5 = arith.constant 0 : i32
    %add3A_6 = arith.addi %add3A_4, %add3A_5 : i32
    %dma_start3A = arith.constant 0 : i32
    %dma_start3A_7 = arith.constant 0 : i32
    %dma_start3A_8 = tpu.memref_slice %arg5[%dma_start3A, %dma_start3A_7] : memref<2x32768xf32, #tpu.memory_space<vmem>> -> memref<1x32768xf32, #tpu.memory_space<vmem>>
    %dma_start3A_9 = tpu.memref_squeeze %dma_start3A_8 : memref<1x32768xf32, #tpu.memory_space<vmem>> -> memref<32768xf32, #tpu.memory_space<vmem>>
    %dma_start3A_10 = tpu.memref_slice %arg2[%add3A_6] : memref<33554432xf32, #tpu.memory_space<hbm>> -> memref<32768xf32, #tpu.memory_space<hbm>>
    %dma_start3A_11 = arith.constant 0 : i32
    %dma_start3A_12 = tpu.memref_slice %arg5[%dma_start3A, %dma_start3A_11] : memref<2x32768xf32, #tpu.memory_space<vmem>> -> memref<1x32768xf32, #tpu.memory_space<vmem>>
    %dma_start3A_13 = tpu.memref_squeeze %dma_start3A_12 : memref<1x32768xf32, #tpu.memory_space<vmem>> -> memref<32768xf32, #tpu.memory_space<vmem>>
    %dma_start3A_14 = tpu.memref_slice %arg2[%add3A_6] : memref<33554432xf32, #tpu.memory_space<hbm>> -> memref<32768xf32, #tpu.memory_space<hbm>>
    tpu.enqueue_dma source(%dma_start3A_14 : memref<32768xf32, #tpu.memory_space<hbm>>) target(%dma_start3A_13 : memref<32768xf32, #tpu.memory_space<vmem>>) target_semaphore(%arg7 : memref<!tpu.dma_semaphore, #tpu.memory_space<semaphore_mem>>)
    %scan3A = arith.constant 0 : i32
    %scan3A_15 = arith.constant 0 : i32
    %scan3A_16 = arith.constant 32 : i32
    %scan3A_17 = arith.addi %scan3A_15, %scan3A_16 : i32
    %scan3A_18 = arith.constant 1 : i32
    scf.for %scan3A_32 = %scan3A_15 to %scan3A_17 step %scan3A_18  : i32 {
      %jit3A = arith.constant 2 : i32
      %eq3A = arith.constant 0 : i32
      %eq3A_33 = arith.cmpi eq, %jit3A, %eq3A : i32
      %jit3A_34 = arith.constant 1 : i32
      %select_n3A = arith.select %eq3A_33, %jit3A_34, %jit3A : i32
      %rem3A = arith.remsi %scan3A_32, %select_n3A : i32
      %ne3A = arith.constant 0 : i32
      %ne3A_35 = arith.cmpi ne, %rem3A, %ne3A : i32
      %lt3A = arith.constant 0 : i32
      %lt3A_36 = arith.cmpi slt, %rem3A, %lt3A : i32
      %lt3A_37 = arith.constant 0 : i32
      %lt3A_38 = arith.cmpi slt, %select_n3A, %lt3A_37 : i32
      %ne3A_39 = arith.xori %lt3A_36, %lt3A_38 : i1
      %and3A = arith.andi %ne3A_39, %ne3A_35 : i1
      %add3A_40 = arith.addi %rem3A, %select_n3A : i32
      %select_n3A_41 = arith.select %and3A, %add3A_40, %rem3A : i32
      %add3A_42 = arith.constant 1 : i32
      %add3A_43 = arith.addi %scan3A_32, %add3A_42 : i32
      %jit3A_44 = arith.constant 2 : i32
      %eq3A_45 = arith.constant 0 : i32
      %eq3A_46 = arith.cmpi eq, %jit3A_44, %eq3A_45 : i32
      %jit3A_47 = arith.constant 1 : i32
      %select_n3A_48 = arith.select %eq3A_46, %jit3A_47, %jit3A_44 : i32
      %rem3A_49 = arith.remsi %add3A_43, %select_n3A_48 : i32
      %ne3A_50 = arith.constant 0 : i32
      %ne3A_51 = arith.cmpi ne, %rem3A_49, %ne3A_50 : i32
      %lt3A_52 = arith.constant 0 : i32
      %lt3A_53 = arith.cmpi slt, %rem3A_49, %lt3A_52 : i32
      %lt3A_54 = arith.constant 0 : i32
      %lt3A_55 = arith.cmpi slt, %select_n3A_48, %lt3A_54 : i32
      %ne3A_56 = arith.xori %lt3A_53, %lt3A_55 : i1
      %and3A_57 = arith.andi %ne3A_56, %ne3A_51 : i1
      %add3A_58 = arith.addi %rem3A_49, %select_n3A_48 : i32
      %select_n3A_59 = arith.select %and3A_57, %add3A_58, %rem3A_49 : i32
      %add3A_60 = arith.constant 1 : i32
      %add3A_61 = arith.addi %scan3A_32, %add3A_60 : i32
      %lt3A_62 = arith.constant 32 : i32
      %lt3A_63 = arith.cmpi slt, %add3A_61, %lt3A_62 : i32
      %convert_element_type3A = arith.extui %lt3A_63 : i1 to i32
      %cond3A = arith.constant 0 : i32
      %cond3A_64 = arith.cmpi ne, %convert_element_type3A, %cond3A : i32
      scf.if %cond3A_64 {
        %ge3A = arith.constant 1 : i32
        %ge3A_96 = arith.cmpi sge, %scan3A_32, %ge3A : i32
        %convert_element_type3A_97 = arith.extui %ge3A_96 : i1 to i32
        %cond3A_98 = arith.constant 0 : i32
        %cond3A_99 = arith.cmpi ne, %convert_element_type3A_97, %cond3A_98 : i32
        scf.if %cond3A_99 {
          %eq3A_110 = arith.constant 0 : i32
          %eq3A_111 = arith.cmpi eq, %select_n3A_59, %eq3A_110 : i32
          %convert_element_type3A_112 = arith.extui %eq3A_111 : i1 to i32
          %cond3A_113 = arith.constant 0 : i32
          %cond3A_114 = arith.cmpi ne, %convert_element_type3A_112, %cond3A_113 : i32
          scf.if %cond3A_114 {
            %sub3A = arith.constant 1 : i32
            %sub3A_120 = arith.subi %scan3A_32, %sub3A : i32
            %jit3A_121 = arith.constant 4 : i32
            %div3A = arith.divsi %sub3A_120, %jit3A_121 : i32
            %sign3A = arith.constant 0 : i32
            %sign3A_122 = arith.cmpi sgt, %sub3A_120, %sign3A : i32
            %sign3A_123 = arith.extui %sign3A_122 : i1 to i32
            %sign3A_124 = arith.constant 0 : i32
            %sign3A_125 = arith.cmpi slt, %sub3A_120, %sign3A_124 : i32
            %sign3A_126 = arith.extui %sign3A_125 : i1 to i32
            %sign3A_127 = arith.subi %sign3A_123, %sign3A_126 : i32
            %sign3A_128 = arith.constant 0 : i32
            %sign3A_129 = arith.cmpi sgt, %jit3A_121, %sign3A_128 : i32
            %sign3A_130 = arith.extui %sign3A_129 : i1 to i32
            %sign3A_131 = arith.constant 0 : i32
            %sign3A_132 = arith.cmpi slt, %jit3A_121, %sign3A_131 : i32
            %sign3A_133 = arith.extui %sign3A_132 : i1 to i32
            %sign3A_134 = arith.subi %sign3A_130, %sign3A_133 : i32
            %ne3A_135 = arith.cmpi ne, %sign3A_127, %sign3A_134 : i32
            %rem3A_136 = arith.remsi %sub3A_120, %jit3A_121 : i32
            %ne3A_137 = arith.constant 0 : i32
            %ne3A_138 = arith.cmpi ne, %rem3A_136, %ne3A_137 : i32
            %and3A_139 = arith.andi %ne3A_135, %ne3A_138 : i1
            %sub3A_140 = arith.constant 1 : i32
            %sub3A_141 = arith.subi %div3A, %sub3A_140 : i32
            %select_n3A_142 = arith.select %and3A_139, %sub3A_141, %div3A : i32
            %jit3A_143 = arith.constant 4 : i32
            %eq3A_144 = arith.constant 0 : i32
            %eq3A_145 = arith.cmpi eq, %jit3A_143, %eq3A_144 : i32
            %jit3A_146 = arith.constant 1 : i32
            %select_n3A_147 = arith.select %eq3A_145, %jit3A_146, %jit3A_143 : i32
            %rem3A_148 = arith.remsi %sub3A_120, %select_n3A_147 : i32
            %ne3A_149 = arith.constant 0 : i32
            %ne3A_150 = arith.cmpi ne, %rem3A_148, %ne3A_149 : i32
            %lt3A_151 = arith.constant 0 : i32
            %lt3A_152 = arith.cmpi slt, %rem3A_148, %lt3A_151 : i32
            %lt3A_153 = arith.constant 0 : i32
            %lt3A_154 = arith.cmpi slt, %select_n3A_147, %lt3A_153 : i32
            %ne3A_155 = arith.xori %lt3A_152, %lt3A_154 : i1
            %and3A_156 = arith.andi %ne3A_155, %ne3A_150 : i1
            %add3A_157 = arith.addi %rem3A_148, %select_n3A_147 : i32
            %select_n3A_158 = arith.select %and3A_156, %add3A_157, %rem3A_148 : i32
            %mul3A_159 = arith.constant 8388608 : i32
            %mul3A_160 = arith.muli %select_n3A_158, %mul3A_159 : i32
            %add3A_161 = arith.addi %mul3A_160, %mul3A_2 : i32
            %mul3A_162 = arith.constant 32768 : i32
            %mul3A_163 = arith.muli %select_n3A_142, %mul3A_162 : i32
            %add3A_164 = arith.addi %add3A_161, %mul3A_163 : i32
            %dma_wait3A_165 = arith.constant 0 : i32
            %dma_wait3A_166 = arith.constant 0 : i32
            %dma_wait3A_167 = tpu.memref_slice %arg5[%dma_wait3A_165, %dma_wait3A_166] : memref<2x32768xf32, #tpu.memory_space<vmem>> -> memref<1x32768xf32, #tpu.memory_space<vmem>>
            %dma_wait3A_168 = tpu.memref_squeeze %dma_wait3A_167 : memref<1x32768xf32, #tpu.memory_space<vmem>> -> memref<32768xf32, #tpu.memory_space<vmem>>
            %dma_wait3A_169 = tpu.memref_slice %arg4[%add3A_164] : memref<33554432xf32, #tpu.memory_space<hbm>> -> memref<32768xf32, #tpu.memory_space<hbm>>
            %dma_wait3A_170 = tpu.memref_slice %arg4[%add3A_164] : memref<33554432xf32, #tpu.memory_space<hbm>> -> memref<32768xf32, #tpu.memory_space<hbm>>
            %dma_wait3A_171 = arith.constant 0 : i32
            %dma_wait3A_172 = tpu.memref_slice %arg5[%dma_wait3A_165, %dma_wait3A_171] : memref<2x32768xf32, #tpu.memory_space<vmem>> -> memref<1x32768xf32, #tpu.memory_space<vmem>>
            %dma_wait3A_173 = tpu.memref_squeeze %dma_wait3A_172 : memref<1x32768xf32, #tpu.memory_space<vmem>> -> memref<32768xf32, #tpu.memory_space<vmem>>
            tpu.wait_dma2 semaphore(%arg9 : memref<!tpu.dma_semaphore, #tpu.memory_space<semaphore_mem>>) src(%dma_wait3A_173 : memref<32768xf32, #tpu.memory_space<vmem>>) dst(%dma_wait3A_170 : memref<32768xf32, #tpu.memory_space<hbm>>)
          } else {
          }
          %eq3A_115 = arith.constant 1 : i32
          %eq3A_116 = arith.cmpi eq, %select_n3A_59, %eq3A_115 : i32
          %convert_element_type3A_117 = arith.extui %eq3A_116 : i1 to i32
          %cond3A_118 = arith.constant 0 : i32
          %cond3A_119 = arith.cmpi ne, %convert_element_type3A_117, %cond3A_118 : i32
          scf.if %cond3A_119 {
            %sub3A = arith.constant 1 : i32
            %sub3A_120 = arith.subi %scan3A_32, %sub3A : i32
            %jit3A_121 = arith.constant 4 : i32
            %div3A = arith.divsi %sub3A_120, %jit3A_121 : i32
            %sign3A = arith.constant 0 : i32
            %sign3A_122 = arith.cmpi sgt, %sub3A_120, %sign3A : i32
            %sign3A_123 = arith.extui %sign3A_122 : i1 to i32
            %sign3A_124 = arith.constant 0 : i32
            %sign3A_125 = arith.cmpi slt, %sub3A_120, %sign3A_124 : i32
            %sign3A_126 = arith.extui %sign3A_125 : i1 to i32
            %sign3A_127 = arith.subi %sign3A_123, %sign3A_126 : i32
            %sign3A_128 = arith.constant 0 : i32
            %sign3A_129 = arith.cmpi sgt, %jit3A_121, %sign3A_128 : i32
            %sign3A_130 = arith.extui %sign3A_129 : i1 to i32
            %sign3A_131 = arith.constant 0 : i32
            %sign3A_132 = arith.cmpi slt, %jit3A_121, %sign3A_131 : i32
            %sign3A_133 = arith.extui %sign3A_132 : i1 to i32
            %sign3A_134 = arith.subi %sign3A_130, %sign3A_133 : i32
            %ne3A_135 = arith.cmpi ne, %sign3A_127, %sign3A_134 : i32
            %rem3A_136 = arith.remsi %sub3A_120, %jit3A_121 : i32
            %ne3A_137 = arith.constant 0 : i32
            %ne3A_138 = arith.cmpi ne, %rem3A_136, %ne3A_137 : i32
            %and3A_139 = arith.andi %ne3A_135, %ne3A_138 : i1
            %sub3A_140 = arith.constant 1 : i32
            %sub3A_141 = arith.subi %div3A, %sub3A_140 : i32
            %select_n3A_142 = arith.select %and3A_139, %sub3A_141, %div3A : i32
            %jit3A_143 = arith.constant 4 : i32
            %eq3A_144 = arith.constant 0 : i32
            %eq3A_145 = arith.cmpi eq, %jit3A_143, %eq3A_144 : i32
            %jit3A_146 = arith.constant 1 : i32
            %select_n3A_147 = arith.select %eq3A_145, %jit3A_146, %jit3A_143 : i32
            %rem3A_148 = arith.remsi %sub3A_120, %select_n3A_147 : i32
            %ne3A_149 = arith.constant 0 : i32
            %ne3A_150 = arith.cmpi ne, %rem3A_148, %ne3A_149 : i32
            %lt3A_151 = arith.constant 0 : i32
            %lt3A_152 = arith.cmpi slt, %rem3A_148, %lt3A_151 : i32
            %lt3A_153 = arith.constant 0 : i32
            %lt3A_154 = arith.cmpi slt, %select_n3A_147, %lt3A_153 : i32
            %ne3A_155 = arith.xori %lt3A_152, %lt3A_154 : i1
            %and3A_156 = arith.andi %ne3A_155, %ne3A_150 : i1
            %add3A_157 = arith.addi %rem3A_148, %select_n3A_147 : i32
            %select_n3A_158 = arith.select %and3A_156, %add3A_157, %rem3A_148 : i32
            %mul3A_159 = arith.constant 8388608 : i32
            %mul3A_160 = arith.muli %select_n3A_158, %mul3A_159 : i32
            %add3A_161 = arith.addi %mul3A_160, %mul3A_2 : i32
            %mul3A_162 = arith.constant 32768 : i32
            %mul3A_163 = arith.muli %select_n3A_142, %mul3A_162 : i32
            %add3A_164 = arith.addi %add3A_161, %mul3A_163 : i32
            %dma_wait3A_165 = arith.constant 1 : i32
            %dma_wait3A_166 = arith.constant 0 : i32
            %dma_wait3A_167 = tpu.memref_slice %arg5[%dma_wait3A_165, %dma_wait3A_166] : memref<2x32768xf32, #tpu.memory_space<vmem>> -> memref<1x32768xf32, #tpu.memory_space<vmem>>
            %dma_wait3A_168 = tpu.memref_squeeze %dma_wait3A_167 : memref<1x32768xf32, #tpu.memory_space<vmem>> -> memref<32768xf32, #tpu.memory_space<vmem>>
            %dma_wait3A_169 = tpu.memref_slice %arg4[%add3A_164] : memref<33554432xf32, #tpu.memory_space<hbm>> -> memref<32768xf32, #tpu.memory_space<hbm>>
            %dma_wait3A_170 = tpu.memref_slice %arg4[%add3A_164] : memref<33554432xf32, #tpu.memory_space<hbm>> -> memref<32768xf32, #tpu.memory_space<hbm>>
            %dma_wait3A_171 = arith.constant 0 : i32
            %dma_wait3A_172 = tpu.memref_slice %arg5[%dma_wait3A_165, %dma_wait3A_171] : memref<2x32768xf32, #tpu.memory_space<vmem>> -> memref<1x32768xf32, #tpu.memory_space<vmem>>
            %dma_wait3A_173 = tpu.memref_squeeze %dma_wait3A_172 : memref<1x32768xf32, #tpu.memory_space<vmem>> -> memref<32768xf32, #tpu.memory_space<vmem>>
            tpu.wait_dma2 semaphore(%arg10 : memref<!tpu.dma_semaphore, #tpu.memory_space<semaphore_mem>>) src(%dma_wait3A_173 : memref<32768xf32, #tpu.memory_space<vmem>>) dst(%dma_wait3A_170 : memref<32768xf32, #tpu.memory_space<hbm>>)
          } else {
          }
        } else {
        }
        %eq3A_100 = arith.constant 0 : i32
        %eq3A_101 = arith.cmpi eq, %select_n3A_59, %eq3A_100 : i32
        %convert_element_type3A_102 = arith.extui %eq3A_101 : i1 to i32
        %cond3A_103 = arith.constant 0 : i32
        %cond3A_104 = arith.cmpi ne, %convert_element_type3A_102, %cond3A_103 : i32
        scf.if %cond3A_104 {
          %add3A_110 = arith.constant 1 : i32
          %add3A_111 = arith.addi %scan3A_32, %add3A_110 : i32
          %jit3A_112 = arith.constant 4 : i32
          %div3A = arith.divsi %add3A_111, %jit3A_112 : i32
          %sign3A = arith.constant 0 : i32
          %sign3A_113 = arith.cmpi sgt, %add3A_111, %sign3A : i32
          %sign3A_114 = arith.extui %sign3A_113 : i1 to i32
          %sign3A_115 = arith.constant 0 : i32
          %sign3A_116 = arith.cmpi slt, %add3A_111, %sign3A_115 : i32
          %sign3A_117 = arith.extui %sign3A_116 : i1 to i32
          %sign3A_118 = arith.subi %sign3A_114, %sign3A_117 : i32
          %sign3A_119 = arith.constant 0 : i32
          %sign3A_120 = arith.cmpi sgt, %jit3A_112, %sign3A_119 : i32
          %sign3A_121 = arith.extui %sign3A_120 : i1 to i32
          %sign3A_122 = arith.constant 0 : i32
          %sign3A_123 = arith.cmpi slt, %jit3A_112, %sign3A_122 : i32
          %sign3A_124 = arith.extui %sign3A_123 : i1 to i32
          %sign3A_125 = arith.subi %sign3A_121, %sign3A_124 : i32
          %ne3A_126 = arith.cmpi ne, %sign3A_118, %sign3A_125 : i32
          %rem3A_127 = arith.remsi %add3A_111, %jit3A_112 : i32
          %ne3A_128 = arith.constant 0 : i32
          %ne3A_129 = arith.cmpi ne, %rem3A_127, %ne3A_128 : i32
          %and3A_130 = arith.andi %ne3A_126, %ne3A_129 : i1
          %sub3A = arith.constant 1 : i32
          %sub3A_131 = arith.subi %div3A, %sub3A : i32
          %select_n3A_132 = arith.select %and3A_130, %sub3A_131, %div3A : i32
          %jit3A_133 = arith.constant 4 : i32
          %eq3A_134 = arith.constant 0 : i32
          %eq3A_135 = arith.cmpi eq, %jit3A_133, %eq3A_134 : i32
          %jit3A_136 = arith.constant 1 : i32
          %select_n3A_137 = arith.select %eq3A_135, %jit3A_136, %jit3A_133 : i32
          %rem3A_138 = arith.remsi %add3A_111, %select_n3A_137 : i32
          %ne3A_139 = arith.constant 0 : i32
          %ne3A_140 = arith.cmpi ne, %rem3A_138, %ne3A_139 : i32
          %lt3A_141 = arith.constant 0 : i32
          %lt3A_142 = arith.cmpi slt, %rem3A_138, %lt3A_141 : i32
          %lt3A_143 = arith.constant 0 : i32
          %lt3A_144 = arith.cmpi slt, %select_n3A_137, %lt3A_143 : i32
          %ne3A_145 = arith.xori %lt3A_142, %lt3A_144 : i1
          %and3A_146 = arith.andi %ne3A_145, %ne3A_140 : i1
          %add3A_147 = arith.addi %rem3A_138, %select_n3A_137 : i32
          %select_n3A_148 = arith.select %and3A_146, %add3A_147, %rem3A_138 : i32
          %mul3A_149 = arith.constant 8388608 : i32
          %mul3A_150 = arith.muli %select_n3A_148, %mul3A_149 : i32
          %add3A_151 = arith.addi %mul3A_150, %mul3A_2 : i32
          %mul3A_152 = arith.constant 32768 : i32
          %mul3A_153 = arith.muli %select_n3A_132, %mul3A_152 : i32
          %add3A_154 = arith.addi %add3A_151, %mul3A_153 : i32
          %dma_start3A_155 = arith.constant 0 : i32
          %dma_start3A_156 = arith.constant 0 : i32
          %dma_start3A_157 = tpu.memref_slice %arg5[%dma_start3A_155, %dma_start3A_156] : memref<2x32768xf32, #tpu.memory_space<vmem>> -> memref<1x32768xf32, #tpu.memory_space<vmem>>
          %dma_start3A_158 = tpu.memref_squeeze %dma_start3A_157 : memref<1x32768xf32, #tpu.memory_space<vmem>> -> memref<32768xf32, #tpu.memory_space<vmem>>
          %dma_start3A_159 = tpu.memref_slice %arg2[%add3A_154] : memref<33554432xf32, #tpu.memory_space<hbm>> -> memref<32768xf32, #tpu.memory_space<hbm>>
          %dma_start3A_160 = arith.constant 0 : i32
          %dma_start3A_161 = tpu.memref_slice %arg5[%dma_start3A_155, %dma_start3A_160] : memref<2x32768xf32, #tpu.memory_space<vmem>> -> memref<1x32768xf32, #tpu.memory_space<vmem>>
          %dma_start3A_162 = tpu.memref_squeeze %dma_start3A_161 : memref<1x32768xf32, #tpu.memory_space<vmem>> -> memref<32768xf32, #tpu.memory_space<vmem>>
          %dma_start3A_163 = tpu.memref_slice %arg2[%add3A_154] : memref<33554432xf32, #tpu.memory_space<hbm>> -> memref<32768xf32, #tpu.memory_space<hbm>>
          tpu.enqueue_dma source(%dma_start3A_163 : memref<32768xf32, #tpu.memory_space<hbm>>) target(%dma_start3A_162 : memref<32768xf32, #tpu.memory_space<vmem>>) target_semaphore(%arg7 : memref<!tpu.dma_semaphore, #tpu.memory_space<semaphore_mem>>)
        } else {
        }
        %eq3A_105 = arith.constant 1 : i32
        %eq3A_106 = arith.cmpi eq, %select_n3A_59, %eq3A_105 : i32
        %convert_element_type3A_107 = arith.extui %eq3A_106 : i1 to i32
        %cond3A_108 = arith.constant 0 : i32
        %cond3A_109 = arith.cmpi ne, %convert_element_type3A_107, %cond3A_108 : i32
        scf.if %cond3A_109 {
          %add3A_110 = arith.constant 1 : i32
          %add3A_111 = arith.addi %scan3A_32, %add3A_110 : i32
          %jit3A_112 = arith.constant 4 : i32
          %div3A = arith.divsi %add3A_111, %jit3A_112 : i32
          %sign3A = arith.constant 0 : i32
          %sign3A_113 = arith.cmpi sgt, %add3A_111, %sign3A : i32
          %sign3A_114 = arith.extui %sign3A_113 : i1 to i32
          %sign3A_115 = arith.constant 0 : i32
          %sign3A_116 = arith.cmpi slt, %add3A_111, %sign3A_115 : i32
          %sign3A_117 = arith.extui %sign3A_116 : i1 to i32
          %sign3A_118 = arith.subi %sign3A_114, %sign3A_117 : i32
          %sign3A_119 = arith.constant 0 : i32
          %sign3A_120 = arith.cmpi sgt, %jit3A_112, %sign3A_119 : i32
          %sign3A_121 = arith.extui %sign3A_120 : i1 to i32
          %sign3A_122 = arith.constant 0 : i32
          %sign3A_123 = arith.cmpi slt, %jit3A_112, %sign3A_122 : i32
          %sign3A_124 = arith.extui %sign3A_123 : i1 to i32
          %sign3A_125 = arith.subi %sign3A_121, %sign3A_124 : i32
          %ne3A_126 = arith.cmpi ne, %sign3A_118, %sign3A_125 : i32
          %rem3A_127 = arith.remsi %add3A_111, %jit3A_112 : i32
          %ne3A_128 = arith.constant 0 : i32
          %ne3A_129 = arith.cmpi ne, %rem3A_127, %ne3A_128 : i32
          %and3A_130 = arith.andi %ne3A_126, %ne3A_129 : i1
          %sub3A = arith.constant 1 : i32
          %sub3A_131 = arith.subi %div3A, %sub3A : i32
          %select_n3A_132 = arith.select %and3A_130, %sub3A_131, %div3A : i32
          %jit3A_133 = arith.constant 4 : i32
          %eq3A_134 = arith.constant 0 : i32
          %eq3A_135 = arith.cmpi eq, %jit3A_133, %eq3A_134 : i32
          %jit3A_136 = arith.constant 1 : i32
          %select_n3A_137 = arith.select %eq3A_135, %jit3A_136, %jit3A_133 : i32
          %rem3A_138 = arith.remsi %add3A_111, %select_n3A_137 : i32
          %ne3A_139 = arith.constant 0 : i32
          %ne3A_140 = arith.cmpi ne, %rem3A_138, %ne3A_139 : i32
          %lt3A_141 = arith.constant 0 : i32
          %lt3A_142 = arith.cmpi slt, %rem3A_138, %lt3A_141 : i32
          %lt3A_143 = arith.constant 0 : i32
          %lt3A_144 = arith.cmpi slt, %select_n3A_137, %lt3A_143 : i32
          %ne3A_145 = arith.xori %lt3A_142, %lt3A_144 : i1
          %and3A_146 = arith.andi %ne3A_145, %ne3A_140 : i1
          %add3A_147 = arith.addi %rem3A_138, %select_n3A_137 : i32
          %select_n3A_148 = arith.select %and3A_146, %add3A_147, %rem3A_138 : i32
          %mul3A_149 = arith.constant 8388608 : i32
          %mul3A_150 = arith.muli %select_n3A_148, %mul3A_149 : i32
          %add3A_151 = arith.addi %mul3A_150, %mul3A_2 : i32
          %mul3A_152 = arith.constant 32768 : i32
          %mul3A_153 = arith.muli %select_n3A_132, %mul3A_152 : i32
          %add3A_154 = arith.addi %add3A_151, %mul3A_153 : i32
          %dma_start3A_155 = arith.constant 1 : i32
          %dma_start3A_156 = arith.constant 0 : i32
          %dma_start3A_157 = tpu.memref_slice %arg5[%dma_start3A_155, %dma_start3A_156] : memref<2x32768xf32, #tpu.memory_space<vmem>> -> memref<1x32768xf32, #tpu.memory_space<vmem>>
          %dma_start3A_158 = tpu.memref_squeeze %dma_start3A_157 : memref<1x32768xf32, #tpu.memory_space<vmem>> -> memref<32768xf32, #tpu.memory_space<vmem>>
          %dma_start3A_159 = tpu.memref_slice %arg2[%add3A_154] : memref<33554432xf32, #tpu.memory_space<hbm>> -> memref<32768xf32, #tpu.memory_space<hbm>>
          %dma_start3A_160 = arith.constant 0 : i32
          %dma_start3A_161 = tpu.memref_slice %arg5[%dma_start3A_155, %dma_start3A_160] : memref<2x32768xf32, #tpu.memory_space<vmem>> -> memref<1x32768xf32, #tpu.memory_space<vmem>>
          %dma_start3A_162 = tpu.memref_squeeze %dma_start3A_161 : memref<1x32768xf32, #tpu.memory_space<vmem>> -> memref<32768xf32, #tpu.memory_space<vmem>>
          %dma_start3A_163 = tpu.memref_slice %arg2[%add3A_154] : memref<33554432xf32, #tpu.memory_space<hbm>> -> memref<32768xf32, #tpu.memory_space<hbm>>
          tpu.enqueue_dma source(%dma_start3A_163 : memref<32768xf32, #tpu.memory_space<hbm>>) target(%dma_start3A_162 : memref<32768xf32, #tpu.memory_space<vmem>>) target_semaphore(%arg8 : memref<!tpu.dma_semaphore, #tpu.memory_space<semaphore_mem>>)
        } else {
        }
      } else {
      }
      %jit3A_65 = arith.constant 4 : i32
      %eq3A_66 = arith.constant 0 : i32
      %eq3A_67 = arith.cmpi eq, %jit3A_65, %eq3A_66 : i32
      %jit3A_68 = arith.constant 1 : i32
      %select_n3A_69 = arith.select %eq3A_67, %jit3A_68, %jit3A_65 : i32
      %rem3A_70 = arith.remsi %scan3A_32, %select_n3A_69 : i32
      %ne3A_71 = arith.constant 0 : i32
      %ne3A_72 = arith.cmpi ne, %rem3A_70, %ne3A_71 : i32
      %lt3A_73 = arith.constant 0 : i32
      %lt3A_74 = arith.cmpi slt, %rem3A_70, %lt3A_73 : i32
      %lt3A_75 = arith.constant 0 : i32
      %lt3A_76 = arith.cmpi slt, %select_n3A_69, %lt3A_75 : i32
      %ne3A_77 = arith.xori %lt3A_74, %lt3A_76 : i1
      %and3A_78 = arith.andi %ne3A_77, %ne3A_72 : i1
      %add3A_79 = arith.addi %rem3A_70, %select_n3A_69 : i32
      %select_n3A_80 = arith.select %and3A_78, %add3A_79, %rem3A_70 : i32
      %eq3A_81 = arith.constant 0 : i32
      %eq3A_82 = arith.cmpi eq, %select_n3A_80, %eq3A_81 : i32
      %convert_element_type3A_83 = arith.extui %eq3A_82 : i1 to i32
      %cond3A_84 = arith.constant 0 : i32
      %cond3A_85 = arith.cmpi ne, %convert_element_type3A_83, %cond3A_84 : i32
      scf.if %cond3A_85 {
        %jit3A_96 = arith.constant 4 : i32
        %div3A = arith.divsi %scan3A_32, %jit3A_96 : i32
        %sign3A = arith.constant 0 : i32
        %sign3A_97 = arith.cmpi sgt, %scan3A_32, %sign3A : i32
        %sign3A_98 = arith.extui %sign3A_97 : i1 to i32
        %sign3A_99 = arith.constant 0 : i32
        %sign3A_100 = arith.cmpi slt, %scan3A_32, %sign3A_99 : i32
        %sign3A_101 = arith.extui %sign3A_100 : i1 to i32
        %sign3A_102 = arith.subi %sign3A_98, %sign3A_101 : i32
        %sign3A_103 = arith.constant 0 : i32
        %sign3A_104 = arith.cmpi sgt, %jit3A_96, %sign3A_103 : i32
        %sign3A_105 = arith.extui %sign3A_104 : i1 to i32
        %sign3A_106 = arith.constant 0 : i32
        %sign3A_107 = arith.cmpi slt, %jit3A_96, %sign3A_106 : i32
        %sign3A_108 = arith.extui %sign3A_107 : i1 to i32
        %sign3A_109 = arith.subi %sign3A_105, %sign3A_108 : i32
        %ne3A_110 = arith.cmpi ne, %sign3A_102, %sign3A_109 : i32
        %rem3A_111 = arith.remsi %scan3A_32, %jit3A_96 : i32
        %ne3A_112 = arith.constant 0 : i32
        %ne3A_113 = arith.cmpi ne, %rem3A_111, %ne3A_112 : i32
        %and3A_114 = arith.andi %ne3A_110, %ne3A_113 : i1
        %sub3A = arith.constant 1 : i32
        %sub3A_115 = arith.subi %div3A, %sub3A : i32
        %select_n3A_116 = arith.select %and3A_114, %sub3A_115, %div3A : i32
        %mul3A_117 = arith.constant 32768 : i32
        %mul3A_118 = arith.muli %select_n3A_116, %mul3A_117 : i32
        %add3A_119 = arith.addi %mul3A_2, %mul3A_118 : i32
        "tpu.region"() ({
          %run_scoped3A = tpu.sem_alloc : memref<!tpu.dma_semaphore, #tpu.memory_space<semaphore_mem>>
          %dma_start3A_120 = tpu.memref_slice %arg3[%add3A_119] : memref<8388608xf32, #tpu.memory_space<hbm>> -> memref<32768xf32, #tpu.memory_space<hbm>>
          %dma_start3A_121 = tpu.memref_slice %arg3[%add3A_119] : memref<8388608xf32, #tpu.memory_space<hbm>> -> memref<32768xf32, #tpu.memory_space<hbm>>
          tpu.enqueue_dma source(%dma_start3A_121 : memref<32768xf32, #tpu.memory_space<hbm>>) target(%arg6 : memref<32768xf32, #tpu.memory_space<vmem>>) target_semaphore(%run_scoped3A : memref<!tpu.dma_semaphore, #tpu.memory_space<semaphore_mem>>)
          %dma_wait3A_122 = tpu.memref_slice %arg3[%add3A_119] : memref<8388608xf32, #tpu.memory_space<hbm>> -> memref<32768xf32, #tpu.memory_space<hbm>>
          %dma_wait3A_123 = tpu.memref_slice %arg3[%add3A_119] : memref<8388608xf32, #tpu.memory_space<hbm>> -> memref<32768xf32, #tpu.memory_space<hbm>>
          tpu.wait_dma2 semaphore(%run_scoped3A : memref<!tpu.dma_semaphore, #tpu.memory_space<semaphore_mem>>) src(%dma_wait3A_123 : memref<32768xf32, #tpu.memory_space<hbm>>) dst(%arg6 : memref<32768xf32, #tpu.memory_space<vmem>>)
          tpu.yield
        }) : () -> ()
      } else {
      }
      %eq3A_86 = arith.constant 0 : i32
      %eq3A_87 = arith.cmpi eq, %select_n3A_41, %eq3A_86 : i32
      %convert_element_type3A_88 = arith.extui %eq3A_87 : i1 to i32
      %cond3A_89 = arith.constant 0 : i32
      %cond3A_90 = arith.cmpi ne, %convert_element_type3A_88, %cond3A_89 : i32
      scf.if %cond3A_90 {
        %jit3A_96 = arith.constant 4 : i32
        %div3A = arith.divsi %scan3A_32, %jit3A_96 : i32
        %sign3A = arith.constant 0 : i32
        %sign3A_97 = arith.cmpi sgt, %scan3A_32, %sign3A : i32
        %sign3A_98 = arith.extui %sign3A_97 : i1 to i32
        %sign3A_99 = arith.constant 0 : i32
        %sign3A_100 = arith.cmpi slt, %scan3A_32, %sign3A_99 : i32
        %sign3A_101 = arith.extui %sign3A_100 : i1 to i32
        %sign3A_102 = arith.subi %sign3A_98, %sign3A_101 : i32
        %sign3A_103 = arith.constant 0 : i32
        %sign3A_104 = arith.cmpi sgt, %jit3A_96, %sign3A_103 : i32
        %sign3A_105 = arith.extui %sign3A_104 : i1 to i32
        %sign3A_106 = arith.constant 0 : i32
        %sign3A_107 = arith.cmpi slt, %jit3A_96, %sign3A_106 : i32
        %sign3A_108 = arith.extui %sign3A_107 : i1 to i32
        %sign3A_109 = arith.subi %sign3A_105, %sign3A_108 : i32
        %ne3A_110 = arith.cmpi ne, %sign3A_102, %sign3A_109 : i32
        %rem3A_111 = arith.remsi %scan3A_32, %jit3A_96 : i32
        %ne3A_112 = arith.constant 0 : i32
        %ne3A_113 = arith.cmpi ne, %rem3A_111, %ne3A_112 : i32
        %and3A_114 = arith.andi %ne3A_110, %ne3A_113 : i1
        %sub3A = arith.constant 1 : i32
        %sub3A_115 = arith.subi %div3A, %sub3A : i32
        %select_n3A_116 = arith.select %and3A_114, %sub3A_115, %div3A : i32
        %jit3A_117 = arith.constant 4 : i32
        %eq3A_118 = arith.constant 0 : i32
        %eq3A_119 = arith.cmpi eq, %jit3A_117, %eq3A_118 : i32
        %jit3A_120 = arith.constant 1 : i32
        %select_n3A_121 = arith.select %eq3A_119, %jit3A_120, %jit3A_117 : i32
        %rem3A_122 = arith.remsi %scan3A_32, %select_n3A_121 : i32
        %ne3A_123 = arith.constant 0 : i32
        %ne3A_124 = arith.cmpi ne, %rem3A_122, %ne3A_123 : i32
        %lt3A_125 = arith.constant 0 : i32
        %lt3A_126 = arith.cmpi slt, %rem3A_122, %lt3A_125 : i32
        %lt3A_127 = arith.constant 0 : i32
        %lt3A_128 = arith.cmpi slt, %select_n3A_121, %lt3A_127 : i32
        %ne3A_129 = arith.xori %lt3A_126, %lt3A_128 : i1
        %and3A_130 = arith.andi %ne3A_129, %ne3A_124 : i1
        %add3A_131 = arith.addi %rem3A_122, %select_n3A_121 : i32
        %select_n3A_132 = arith.select %and3A_130, %add3A_131, %rem3A_122 : i32
        %mul3A_133 = arith.constant 8388608 : i32
        %mul3A_134 = arith.muli %select_n3A_132, %mul3A_133 : i32
        %add3A_135 = arith.addi %mul3A_134, %mul3A_2 : i32
        %mul3A_136 = arith.constant 32768 : i32
        %mul3A_137 = arith.muli %select_n3A_116, %mul3A_136 : i32
        %add3A_138 = arith.addi %add3A_135, %mul3A_137 : i32
        %dma_wait3A_139 = arith.constant 0 : i32
        %dma_wait3A_140 = arith.constant 0 : i32
        %dma_wait3A_141 = tpu.memref_slice %arg5[%dma_wait3A_139, %dma_wait3A_140] : memref<2x32768xf32, #tpu.memory_space<vmem>> -> memref<1x32768xf32, #tpu.memory_space<vmem>>
        %dma_wait3A_142 = tpu.memref_squeeze %dma_wait3A_141 : memref<1x32768xf32, #tpu.memory_space<vmem>> -> memref<32768xf32, #tpu.memory_space<vmem>>
        %dma_wait3A_143 = tpu.memref_slice %arg2[%add3A_138] : memref<33554432xf32, #tpu.memory_space<hbm>> -> memref<32768xf32, #tpu.memory_space<hbm>>
        %dma_wait3A_144 = arith.constant 0 : i32
        %dma_wait3A_145 = tpu.memref_slice %arg5[%dma_wait3A_139, %dma_wait3A_144] : memref<2x32768xf32, #tpu.memory_space<vmem>> -> memref<1x32768xf32, #tpu.memory_space<vmem>>
        %dma_wait3A_146 = tpu.memref_squeeze %dma_wait3A_145 : memref<1x32768xf32, #tpu.memory_space<vmem>> -> memref<32768xf32, #tpu.memory_space<vmem>>
        %dma_wait3A_147 = tpu.memref_slice %arg2[%add3A_138] : memref<33554432xf32, #tpu.memory_space<hbm>> -> memref<32768xf32, #tpu.memory_space<hbm>>
        tpu.wait_dma2 semaphore(%arg7 : memref<!tpu.dma_semaphore, #tpu.memory_space<semaphore_mem>>) src(%dma_wait3A_147 : memref<32768xf32, #tpu.memory_space<hbm>>) dst(%dma_wait3A_146 : memref<32768xf32, #tpu.memory_space<vmem>>)
        %scan3A_148 = arith.constant 0 : i32
        %scan3A_149 = arith.constant 0 : i32
        %scan3A_150 = arith.constant 2048 : i32
        %scan3A_151 = arith.addi %scan3A_149, %scan3A_150 : i32
        %scan3A_152 = arith.constant 8 : i32
        scf.for %scan3A_209 = %scan3A_149 to %scan3A_151 step %scan3A_152  : i32 {
          %mul3A_210 = arith.constant 16 : i32
          %mul3A_211 = arith.muli %scan3A_209, %mul3A_210 : i32
          %get3A = arith.constant 0 : i32
          %get3A_212 = arith.constant 0 : i32
          %get3A_213 = tpu.memref_slice %arg5[%get3A, %get3A_212] : memref<2x32768xf32, #tpu.memory_space<vmem>> -> memref<1x32768xf32, #tpu.memory_space<vmem>>
          %get3A_214 = tpu.memref_squeeze %get3A_213 : memref<1x32768xf32, #tpu.memory_space<vmem>> -> memref<32768xf32, #tpu.memory_space<vmem>>
          %get3A_215 = arith.index_cast %mul3A_211 : i32 to index
          %get3A_216 = tpu.vector_load %get3A_214[%get3A_215] {strides = array<i32>} : memref<32768xf32, #tpu.memory_space<vmem>>, vector<16xf32>,
          %get3A_217 = vector.shape_cast %get3A_216 : vector<16xf32> to vector<16xf32>
          %get3A_218 = arith.index_cast %mul3A_211 : i32 to index
          %get3A_219 = tpu.vector_load %arg6[%get3A_218] {strides = array<i32>} : memref<32768xf32, #tpu.memory_space<vmem>>, vector<16xf32>,
          %get3A_220 = vector.shape_cast %get3A_219 : vector<16xf32> to vector<16xf32>
          %add3A_221 = arith.addf %get3A_217, %get3A_220 : vector<16xf32>
          %swap3A = arith.constant 0 : i32
          %swap3A_222 = arith.constant 0 : i32
          %swap3A_223 = tpu.memref_slice %arg5[%swap3A, %swap3A_222] : memref<2x32768xf32, #tpu.memory_space<vmem>> -> memref<1x32768xf32, #tpu.memory_space<vmem>>
          %swap3A_224 = tpu.memref_squeeze %swap3A_223 : memref<1x32768xf32, #tpu.memory_space<vmem>> -> memref<32768xf32, #tpu.memory_space<vmem>>
          %swap3A_225 = arith.index_cast %mul3A_211 : i32 to index
          %swap3A_226 = tpu.vector_load %swap3A_224[%swap3A_225] {strides = array<i32>} : memref<32768xf32, #tpu.memory_space<vmem>>, vector<16xf32>,
          %swap3A_227 = vector.shape_cast %swap3A_226 : vector<16xf32> to vector<16xf32>
          %swap3A_228 = vector.shape_cast %add3A_221 : vector<16xf32> to vector<16xf32>
          tpu.vector_store %swap3A_224[%swap3A_225], %swap3A_228 {strides = array<i32>} : memref<32768xf32, #tpu.memory_space<vmem>>, vector<16xf32>,
          %scan3A_229 = arith.constant 1 : i32
          %scan3A_230 = arith.addi %scan3A_209, %scan3A_229 : i32
          %mul3A_231 = arith.constant 16 : i32
          %mul3A_232 = arith.muli %scan3A_230, %mul3A_231 : i32
          %get3A_233 = arith.constant 0 : i32
          %get3A_234 = arith.constant 0 : i32
          %get3A_235 = tpu.memref_slice %arg5[%get3A_233, %get3A_234] : memref<2x32768xf32, #tpu.memory_space<vmem>> -> memref<1x32768xf32, #tpu.memory_space<vmem>>
          %get3A_236 = tpu.memref_squeeze %get3A_235 : memref<1x32768xf32, #tpu.memory_space<vmem>> -> memref<32768xf32, #tpu.memory_space<vmem>>
          %get3A_237 = arith.index_cast %mul3A_232 : i32 to index
          %get3A_238 = tpu.vector_load %get3A_236[%get3A_237] {strides = array<i32>} : memref<32768xf32, #tpu.memory_space<vmem>>, vector<16xf32>,
          %get3A_239 = vector.shape_cast %get3A_238 : vector<16xf32> to vector<16xf32>
          %get3A_240 = arith.index_cast %mul3A_232 : i32 to index
          %get3A_241 = tpu.vector_load %arg6[%get3A_240] {strides = array<i32>} : memref<32768xf32, #tpu.memory_space<vmem>>, vector<16xf32>,
          %get3A_242 = vector.shape_cast %get3A_241 : vector<16xf32> to vector<16xf32>
          %add3A_243 = arith.addf %get3A_239, %get3A_242 : vector<16xf32>
          %swap3A_244 = arith.constant 0 : i32
          %swap3A_245 = arith.constant 0 : i32
          %swap3A_246 = tpu.memref_slice %arg5[%swap3A_244, %swap3A_245] : memref<2x32768xf32, #tpu.memory_space<vmem>> -> memref<1x32768xf32, #tpu.memory_space<vmem>>
          %swap3A_247 = tpu.memref_squeeze %swap3A_246 : memref<1x32768xf32, #tpu.memory_space<vmem>> -> memref<32768xf32, #tpu.memory_space<vmem>>
          %swap3A_248 = arith.index_cast %mul3A_232 : i32 to index
          %swap3A_249 = tpu.vector_load %swap3A_247[%swap3A_248] {strides = array<i32>} : memref<32768xf32, #tpu.memory_space<vmem>>, vector<16xf32>,
          %swap3A_250 = vector.shape_cast %swap3A_249 : vector<16xf32> to vector<16xf32>
          %swap3A_251 = vector.shape_cast %add3A_243 : vector<16xf32> to vector<16xf32>
          tpu.vector_store %swap3A_247[%swap3A_248], %swap3A_251 {strides = array<i32>} : memref<32768xf32, #tpu.memory_space<vmem>>, vector<16xf32>,
          %scan3A_252 = arith.constant 2 : i32
          %scan3A_253 = arith.addi %scan3A_209, %scan3A_252 : i32
          %mul3A_254 = arith.constant 16 : i32
          %mul3A_255 = arith.muli %scan3A_253, %mul3A_254 : i32
          %get3A_256 = arith.constant 0 : i32
          %get3A_257 = arith.constant 0 : i32
          %get3A_258 = tpu.memref_slice %arg5[%get3A_256, %get3A_257] : memref<2x32768xf32, #tpu.memory_space<vmem>> -> memref<1x32768xf32, #tpu.memory_space<vmem>>
          %get3A_259 = tpu.memref_squeeze %get3A_258 : memref<1x32768xf32, #tpu.memory_space<vmem>> -> memref<32768xf32, #tpu.memory_space<vmem>>
          %get3A_260 = arith.index_cast %mul3A_255 : i32 to index
          %get3A_261 = tpu.vector_load %get3A_259[%get3A_260] {strides = array<i32>} : memref<32768xf32, #tpu.memory_space<vmem>>, vector<16xf32>,
          %get3A_262 = vector.shape_cast %get3A_261 : vector<16xf32> to vector<16xf32>
          %get3A_263 = arith.index_cast %mul3A_255 : i32 to index
          %get3A_264 = tpu.vector_load %arg6[%get3A_263] {strides = array<i32>} : memref<32768xf32, #tpu.memory_space<vmem>>, vector<16xf32>,
          %get3A_265 = vector.shape_cast %get3A_264 : vector<16xf32> to vector<16xf32>
          %add3A_266 = arith.addf %get3A_262, %get3A_265 : vector<16xf32>
          %swap3A_267 = arith.constant 0 : i32
          %swap3A_268 = arith.constant 0 : i32
          %swap3A_269 = tpu.memref_slice %arg5[%swap3A_267, %swap3A_268] : memref<2x32768xf32, #tpu.memory_space<vmem>> -> memref<1x32768xf32, #tpu.memory_space<vmem>>
          %swap3A_270 = tpu.memref_squeeze %swap3A_269 : memref<1x32768xf32, #tpu.memory_space<vmem>> -> memref<32768xf32, #tpu.memory_space<vmem>>
          %swap3A_271 = arith.index_cast %mul3A_255 : i32 to index
          %swap3A_272 = tpu.vector_load %swap3A_270[%swap3A_271] {strides = array<i32>} : memref<32768xf32, #tpu.memory_space<vmem>>, vector<16xf32>,
          %swap3A_273 = vector.shape_cast %swap3A_272 : vector<16xf32> to vector<16xf32>
          %swap3A_274 = vector.shape_cast %add3A_266 : vector<16xf32> to vector<16xf32>
          tpu.vector_store %swap3A_270[%swap3A_271], %swap3A_274 {strides = array<i32>} : memref<32768xf32, #tpu.memory_space<vmem>>, vector<16xf32>,
          %scan3A_275 = arith.constant 3 : i32
          %scan3A_276 = arith.addi %scan3A_209, %scan3A_275 : i32
          %mul3A_277 = arith.constant 16 : i32
          %mul3A_278 = arith.muli %scan3A_276, %mul3A_277 : i32
          %get3A_279 = arith.constant 0 : i32
          %get3A_280 = arith.constant 0 : i32
          %get3A_281 = tpu.memref_slice %arg5[%get3A_279, %get3A_280] : memref<2x32768xf32, #tpu.memory_space<vmem>> -> memref<1x32768xf32, #tpu.memory_space<vmem>>
          %get3A_282 = tpu.memref_squeeze %get3A_281 : memref<1x32768xf32, #tpu.memory_space<vmem>> -> memref<32768xf32, #tpu.memory_space<vmem>>
          %get3A_283 = arith.index_cast %mul3A_278 : i32 to index
          %get3A_284 = tpu.vector_load %get3A_282[%get3A_283] {strides = array<i32>} : memref<32768xf32, #tpu.memory_space<vmem>>, vector<16xf32>,
          %get3A_285 = vector.shape_cast %get3A_284 : vector<16xf32> to vector<16xf32>
          %get3A_286 = arith.index_cast %mul3A_278 : i32 to index
          %get3A_287 = tpu.vector_load %arg6[%get3A_286] {strides = array<i32>} : memref<32768xf32, #tpu.memory_space<vmem>>, vector<16xf32>,
          %get3A_288 = vector.shape_cast %get3A_287 : vector<16xf32> to vector<16xf32>
          %add3A_289 = arith.addf %get3A_285, %get3A_288 : vector<16xf32>
          %swap3A_290 = arith.constant 0 : i32
          %swap3A_291 = arith.constant 0 : i32
          %swap3A_292 = tpu.memref_slice %arg5[%swap3A_290, %swap3A_291] : memref<2x32768xf32, #tpu.memory_space<vmem>> -> memref<1x32768xf32, #tpu.memory_space<vmem>>
          %swap3A_293 = tpu.memref_squeeze %swap3A_292 : memref<1x32768xf32, #tpu.memory_space<vmem>> -> memref<32768xf32, #tpu.memory_space<vmem>>
          %swap3A_294 = arith.index_cast %mul3A_278 : i32 to index
          %swap3A_295 = tpu.vector_load %swap3A_293[%swap3A_294] {strides = array<i32>} : memref<32768xf32, #tpu.memory_space<vmem>>, vector<16xf32>,
          %swap3A_296 = vector.shape_cast %swap3A_295 : vector<16xf32> to vector<16xf32>
          %swap3A_297 = vector.shape_cast %add3A_289 : vector<16xf32> to vector<16xf32>
          tpu.vector_store %swap3A_293[%swap3A_294], %swap3A_297 {strides = array<i32>} : memref<32768xf32, #tpu.memory_space<vmem>>, vector<16xf32>,
          %scan3A_298 = arith.constant 4 : i32
          %scan3A_299 = arith.addi %scan3A_209, %scan3A_298 : i32
          %mul3A_300 = arith.constant 16 : i32
          %mul3A_301 = arith.muli %scan3A_299, %mul3A_300 : i32
          %get3A_302 = arith.constant 0 : i32
          %get3A_303 = arith.constant 0 : i32
          %get3A_304 = tpu.memref_slice %arg5[%get3A_302, %get3A_303] : memref<2x32768xf32, #tpu.memory_space<vmem>> -> memref<1x32768xf32, #tpu.memory_space<vmem>>
          %get3A_305 = tpu.memref_squeeze %get3A_304 : memref<1x32768xf32, #tpu.memory_space<vmem>> -> memref<32768xf32, #tpu.memory_space<vmem>>
          %get3A_306 = arith.index_cast %mul3A_301 : i32 to index
          %get3A_307 = tpu.vector_load %get3A_305[%get3A_306] {strides = array<i32>} : memref<32768xf32, #tpu.memory_space<vmem>>, vector<16xf32>,
          %get3A_308 = vector.shape_cast %get3A_307 : vector<16xf32> to vector<16xf32>
          %get3A_309 = arith.index_cast %mul3A_301 : i32 to index
          %get3A_310 = tpu.vector_load %arg6[%get3A_309] {strides = array<i32>} : memref<32768xf32, #tpu.memory_space<vmem>>, vector<16xf32>,
          %get3A_311 = vector.shape_cast %get3A_310 : vector<16xf32> to vector<16xf32>
          %add3A_312 = arith.addf %get3A_308, %get3A_311 : vector<16xf32>
          %swap3A_313 = arith.constant 0 : i32
          %swap3A_314 = arith.constant 0 : i32
          %swap3A_315 = tpu.memref_slice %arg5[%swap3A_313, %swap3A_314] : memref<2x32768xf32, #tpu.memory_space<vmem>> -> memref<1x32768xf32, #tpu.memory_space<vmem>>
          %swap3A_316 = tpu.memref_squeeze %swap3A_315 : memref<1x32768xf32, #tpu.memory_space<vmem>> -> memref<32768xf32, #tpu.memory_space<vmem>>
          %swap3A_317 = arith.index_cast %mul3A_301 : i32 to index
          %swap3A_318 = tpu.vector_load %swap3A_316[%swap3A_317] {strides = array<i32>} : memref<32768xf32, #tpu.memory_space<vmem>>, vector<16xf32>,
          %swap3A_319 = vector.shape_cast %swap3A_318 : vector<16xf32> to vector<16xf32>
          %swap3A_320 = vector.shape_cast %add3A_312 : vector<16xf32> to vector<16xf32>
          tpu.vector_store %swap3A_316[%swap3A_317], %swap3A_320 {strides = array<i32>} : memref<32768xf32, #tpu.memory_space<vmem>>, vector<16xf32>,
          %scan3A_321 = arith.constant 5 : i32
          %scan3A_322 = arith.addi %scan3A_209, %scan3A_321 : i32
          %mul3A_323 = arith.constant 16 : i32
          %mul3A_324 = arith.muli %scan3A_322, %mul3A_323 : i32
          %get3A_325 = arith.constant 0 : i32
          %get3A_326 = arith.constant 0 : i32
          %get3A_327 = tpu.memref_slice %arg5[%get3A_325, %get3A_326] : memref<2x32768xf32, #tpu.memory_space<vmem>> -> memref<1x32768xf32, #tpu.memory_space<vmem>>
          %get3A_328 = tpu.memref_squeeze %get3A_327 : memref<1x32768xf32, #tpu.memory_space<vmem>> -> memref<32768xf32, #tpu.memory_space<vmem>>
          %get3A_329 = arith.index_cast %mul3A_324 : i32 to index
          %get3A_330 = tpu.vector_load %get3A_328[%get3A_329] {strides = array<i32>} : memref<32768xf32, #tpu.memory_space<vmem>>, vector<16xf32>,
          %get3A_331 = vector.shape_cast %get3A_330 : vector<16xf32> to vector<16xf32>
          %get3A_332 = arith.index_cast %mul3A_324 : i32 to index
          %get3A_333 = tpu.vector_load %arg6[%get3A_332] {strides = array<i32>} : memref<32768xf32, #tpu.memory_space<vmem>>, vector<16xf32>,
          %get3A_334 = vector.shape_cast %get3A_333 : vector<16xf32> to vector<16xf32>
          %add3A_335 = arith.addf %get3A_331, %get3A_334 : vector<16xf32>
          %swap3A_336 = arith.constant 0 : i32
          %swap3A_337 = arith.constant 0 : i32
          %swap3A_338 = tpu.memref_slice %arg5[%swap3A_336, %swap3A_337] : memref<2x32768xf32, #tpu.memory_space<vmem>> -> memref<1x32768xf32, #tpu.memory_space<vmem>>
          %swap3A_339 = tpu.memref_squeeze %swap3A_338 : memref<1x32768xf32, #tpu.memory_space<vmem>> -> memref<32768xf32, #tpu.memory_space<vmem>>
          %swap3A_340 = arith.index_cast %mul3A_324 : i32 to index
          %swap3A_341 = tpu.vector_load %swap3A_339[%swap3A_340] {strides = array<i32>} : memref<32768xf32, #tpu.memory_space<vmem>>, vector<16xf32>,
          %swap3A_342 = vector.shape_cast %swap3A_341 : vector<16xf32> to vector<16xf32>
          %swap3A_343 = vector.shape_cast %add3A_335 : vector<16xf32> to vector<16xf32>
          tpu.vector_store %swap3A_339[%swap3A_340], %swap3A_343 {strides = array<i32>} : memref<32768xf32, #tpu.memory_space<vmem>>, vector<16xf32>,
          %scan3A_344 = arith.constant 6 : i32
          %scan3A_345 = arith.addi %scan3A_209, %scan3A_344 : i32
          %mul3A_346 = arith.constant 16 : i32
          %mul3A_347 = arith.muli %scan3A_345, %mul3A_346 : i32
          %get3A_348 = arith.constant 0 : i32
          %get3A_349 = arith.constant 0 : i32
          %get3A_350 = tpu.memref_slice %arg5[%get3A_348, %get3A_349] : memref<2x32768xf32, #tpu.memory_space<vmem>> -> memref<1x32768xf32, #tpu.memory_space<vmem>>
          %get3A_351 = tpu.memref_squeeze %get3A_350 : memref<1x32768xf32, #tpu.memory_space<vmem>> -> memref<32768xf32, #tpu.memory_space<vmem>>
          %get3A_352 = arith.index_cast %mul3A_347 : i32 to index
          %get3A_353 = tpu.vector_load %get3A_351[%get3A_352] {strides = array<i32>} : memref<32768xf32, #tpu.memory_space<vmem>>, vector<16xf32>,
          %get3A_354 = vector.shape_cast %get3A_353 : vector<16xf32> to vector<16xf32>
          %get3A_355 = arith.index_cast %mul3A_347 : i32 to index
          %get3A_356 = tpu.vector_load %arg6[%get3A_355] {strides = array<i32>} : memref<32768xf32, #tpu.memory_space<vmem>>, vector<16xf32>,
          %get3A_357 = vector.shape_cast %get3A_356 : vector<16xf32> to vector<16xf32>
          %add3A_358 = arith.addf %get3A_354, %get3A_357 : vector<16xf32>
          %swap3A_359 = arith.constant 0 : i32
          %swap3A_360 = arith.constant 0 : i32
          %swap3A_361 = tpu.memref_slice %arg5[%swap3A_359, %swap3A_360] : memref<2x32768xf32, #tpu.memory_space<vmem>> -> memref<1x32768xf32, #tpu.memory_space<vmem>>
          %swap3A_362 = tpu.memref_squeeze %swap3A_361 : memref<1x32768xf32, #tpu.memory_space<vmem>> -> memref<32768xf32, #tpu.memory_space<vmem>>
          %swap3A_363 = arith.index_cast %mul3A_347 : i32 to index
          %swap3A_364 = tpu.vector_load %swap3A_362[%swap3A_363] {strides = array<i32>} : memref<32768xf32, #tpu.memory_space<vmem>>, vector<16xf32>,
          %swap3A_365 = vector.shape_cast %swap3A_364 : vector<16xf32> to vector<16xf32>
          %swap3A_366 = vector.shape_cast %add3A_358 : vector<16xf32> to vector<16xf32>
          tpu.vector_store %swap3A_362[%swap3A_363], %swap3A_366 {strides = array<i32>} : memref<32768xf32, #tpu.memory_space<vmem>>, vector<16xf32>,
          %scan3A_367 = arith.constant 7 : i32
          %scan3A_368 = arith.addi %scan3A_209, %scan3A_367 : i32
          %mul3A_369 = arith.constant 16 : i32
          %mul3A_370 = arith.muli %scan3A_368, %mul3A_369 : i32
          %get3A_371 = arith.constant 0 : i32
          %get3A_372 = arith.constant 0 : i32
          %get3A_373 = tpu.memref_slice %arg5[%get3A_371, %get3A_372] : memref<2x32768xf32, #tpu.memory_space<vmem>> -> memref<1x32768xf32, #tpu.memory_space<vmem>>
          %get3A_374 = tpu.memref_squeeze %get3A_373 : memref<1x32768xf32, #tpu.memory_space<vmem>> -> memref<32768xf32, #tpu.memory_space<vmem>>
          %get3A_375 = arith.index_cast %mul3A_370 : i32 to index
          %get3A_376 = tpu.vector_load %get3A_374[%get3A_375] {strides = array<i32>} : memref<32768xf32, #tpu.memory_space<vmem>>, vector<16xf32>,
          %get3A_377 = vector.shape_cast %get3A_376 : vector<16xf32> to vector<16xf32>
          %get3A_378 = arith.index_cast %mul3A_370 : i32 to index
          %get3A_379 = tpu.vector_load %arg6[%get3A_378] {strides = array<i32>} : memref<32768xf32, #tpu.memory_space<vmem>>, vector<16xf32>,
          %get3A_380 = vector.shape_cast %get3A_379 : vector<16xf32> to vector<16xf32>
          %add3A_381 = arith.addf %get3A_377, %get3A_380 : vector<16xf32>
          %swap3A_382 = arith.constant 0 : i32
          %swap3A_383 = arith.constant 0 : i32
          %swap3A_384 = tpu.memref_slice %arg5[%swap3A_382, %swap3A_383] : memref<2x32768xf32, #tpu.memory_space<vmem>> -> memref<1x32768xf32, #tpu.memory_space<vmem>>
          %swap3A_385 = tpu.memref_squeeze %swap3A_384 : memref<1x32768xf32, #tpu.memory_space<vmem>> -> memref<32768xf32, #tpu.memory_space<vmem>>
          %swap3A_386 = arith.index_cast %mul3A_370 : i32 to index
          %swap3A_387 = tpu.vector_load %swap3A_385[%swap3A_386] {strides = array<i32>} : memref<32768xf32, #tpu.memory_space<vmem>>, vector<16xf32>,
          %swap3A_388 = vector.shape_cast %swap3A_387 : vector<16xf32> to vector<16xf32>
          %swap3A_389 = vector.shape_cast %add3A_381 : vector<16xf32> to vector<16xf32>
          tpu.vector_store %swap3A_385[%swap3A_386], %swap3A_389 {strides = array<i32>} : memref<32768xf32, #tpu.memory_space<vmem>>, vector<16xf32>,
        }
        %scan3A_153 = arith.constant 2048 : i32
        %jit3A_154 = arith.constant 4 : i32
        %div3A_155 = arith.divsi %scan3A_32, %jit3A_154 : i32
        %sign3A_156 = arith.constant 0 : i32
        %sign3A_157 = arith.cmpi sgt, %scan3A_32, %sign3A_156 : i32
        %sign3A_158 = arith.extui %sign3A_157 : i1 to i32
        %sign3A_159 = arith.constant 0 : i32
        %sign3A_160 = arith.cmpi slt, %scan3A_32, %sign3A_159 : i32
        %sign3A_161 = arith.extui %sign3A_160 : i1 to i32
        %sign3A_162 = arith.subi %sign3A_158, %sign3A_161 : i32
        %sign3A_163 = arith.constant 0 : i32
        %sign3A_164 = arith.cmpi sgt, %jit3A_154, %sign3A_163 : i32
        %sign3A_165 = arith.extui %sign3A_164 : i1 to i32
        %sign3A_166 = arith.constant 0 : i32
        %sign3A_167 = arith.cmpi slt, %jit3A_154, %sign3A_166 : i32
        %sign3A_168 = arith.extui %sign3A_167 : i1 to i32
        %sign3A_169 = arith.subi %sign3A_165, %sign3A_168 : i32
        %ne3A_170 = arith.cmpi ne, %sign3A_162, %sign3A_169 : i32
        %rem3A_171 = arith.remsi %scan3A_32, %jit3A_154 : i32
        %ne3A_172 = arith.constant 0 : i32
        %ne3A_173 = arith.cmpi ne, %rem3A_171, %ne3A_172 : i32
        %and3A_174 = arith.andi %ne3A_170, %ne3A_173 : i1
        %sub3A_175 = arith.constant 1 : i32
        %sub3A_176 = arith.subi %div3A_155, %sub3A_175 : i32
        %select_n3A_177 = arith.select %and3A_174, %sub3A_176, %div3A_155 : i32
        %jit3A_178 = arith.constant 4 : i32
        %eq3A_179 = arith.constant 0 : i32
        %eq3A_180 = arith.cmpi eq, %jit3A_178, %eq3A_179 : i32
        %jit3A_181 = arith.constant 1 : i32
        %select_n3A_182 = arith.select %eq3A_180, %jit3A_181, %jit3A_178 : i32
        %rem3A_183 = arith.remsi %scan3A_32, %select_n3A_182 : i32
        %ne3A_184 = arith.constant 0 : i32
        %ne3A_185 = arith.cmpi ne, %rem3A_183, %ne3A_184 : i32
        %lt3A_186 = arith.constant 0 : i32
        %lt3A_187 = arith.cmpi slt, %rem3A_183, %lt3A_186 : i32
        %lt3A_188 = arith.constant 0 : i32
        %lt3A_189 = arith.cmpi slt, %select_n3A_182, %lt3A_188 : i32
        %ne3A_190 = arith.xori %lt3A_187, %lt3A_189 : i1
        %and3A_191 = arith.andi %ne3A_190, %ne3A_185 : i1
        %add3A_192 = arith.addi %rem3A_183, %select_n3A_182 : i32
        %select_n3A_193 = arith.select %and3A_191, %add3A_192, %rem3A_183 : i32
        %mul3A_194 = arith.constant 8388608 : i32
        %mul3A_195 = arith.muli %select_n3A_193, %mul3A_194 : i32
        %add3A_196 = arith.addi %mul3A_195, %mul3A_2 : i32
        %mul3A_197 = arith.constant 32768 : i32
        %mul3A_198 = arith.muli %select_n3A_177, %mul3A_197 : i32
        %add3A_199 = arith.addi %add3A_196, %mul3A_198 : i32
        %dma_start3A_200 = arith.constant 0 : i32
        %dma_start3A_201 = arith.constant 0 : i32
        %dma_start3A_202 = tpu.memref_slice %arg5[%dma_start3A_200, %dma_start3A_201] : memref<2x32768xf32, #tpu.memory_space<vmem>> -> memref<1x32768xf32, #tpu.memory_space<vmem>>
        %dma_start3A_203 = tpu.memref_squeeze %dma_start3A_202 : memref<1x32768xf32, #tpu.memory_space<vmem>> -> memref<32768xf32, #tpu.memory_space<vmem>>
        %dma_start3A_204 = tpu.memref_slice %arg4[%add3A_199] : memref<33554432xf32, #tpu.memory_space<hbm>> -> memref<32768xf32, #tpu.memory_space<hbm>>
        %dma_start3A_205 = tpu.memref_slice %arg4[%add3A_199] : memref<33554432xf32, #tpu.memory_space<hbm>> -> memref<32768xf32, #tpu.memory_space<hbm>>
        %dma_start3A_206 = arith.constant 0 : i32
        %dma_start3A_207 = tpu.memref_slice %arg5[%dma_start3A_200, %dma_start3A_206] : memref<2x32768xf32, #tpu.memory_space<vmem>> -> memref<1x32768xf32, #tpu.memory_space<vmem>>
        %dma_start3A_208 = tpu.memref_squeeze %dma_start3A_207 : memref<1x32768xf32, #tpu.memory_space<vmem>> -> memref<32768xf32, #tpu.memory_space<vmem>>
        tpu.enqueue_dma source(%dma_start3A_208 : memref<32768xf32, #tpu.memory_space<vmem>>) target(%dma_start3A_205 : memref<32768xf32, #tpu.memory_space<hbm>>) target_semaphore(%arg9 : memref<!tpu.dma_semaphore, #tpu.memory_space<semaphore_mem>>)
      } else {
      }
      %eq3A_91 = arith.constant 1 : i32
      %eq3A_92 = arith.cmpi eq, %select_n3A_41, %eq3A_91 : i32
      %convert_element_type3A_93 = arith.extui %eq3A_92 : i1 to i32
      %cond3A_94 = arith.constant 0 : i32
      %cond3A_95 = arith.cmpi ne, %convert_element_type3A_93, %cond3A_94 : i32
      scf.if %cond3A_95 {
        %jit3A_96 = arith.constant 4 : i32
        %div3A = arith.divsi %scan3A_32, %jit3A_96 : i32
        %sign3A = arith.constant 0 : i32
        %sign3A_97 = arith.cmpi sgt, %scan3A_32, %sign3A : i32
        %sign3A_98 = arith.extui %sign3A_97 : i1 to i32
        %sign3A_99 = arith.constant 0 : i32
        %sign3A_100 = arith.cmpi slt, %scan3A_32, %sign3A_99 : i32
        %sign3A_101 = arith.extui %sign3A_100 : i1 to i32
        %sign3A_102 = arith.subi %sign3A_98, %sign3A_101 : i32
        %sign3A_103 = arith.constant 0 : i32
        %sign3A_104 = arith.cmpi sgt, %jit3A_96, %sign3A_103 : i32
        %sign3A_105 = arith.extui %sign3A_104 : i1 to i32
        %sign3A_106 = arith.constant 0 : i32
        %sign3A_107 = arith.cmpi slt, %jit3A_96, %sign3A_106 : i32
        %sign3A_108 = arith.extui %sign3A_107 : i1 to i32
        %sign3A_109 = arith.subi %sign3A_105, %sign3A_108 : i32
        %ne3A_110 = arith.cmpi ne, %sign3A_102, %sign3A_109 : i32
        %rem3A_111 = arith.remsi %scan3A_32, %jit3A_96 : i32
        %ne3A_112 = arith.constant 0 : i32
        %ne3A_113 = arith.cmpi ne, %rem3A_111, %ne3A_112 : i32
        %and3A_114 = arith.andi %ne3A_110, %ne3A_113 : i1
        %sub3A = arith.constant 1 : i32
        %sub3A_115 = arith.subi %div3A, %sub3A : i32
        %select_n3A_116 = arith.select %and3A_114, %sub3A_115, %div3A : i32
        %jit3A_117 = arith.constant 4 : i32
        %eq3A_118 = arith.constant 0 : i32
        %eq3A_119 = arith.cmpi eq, %jit3A_117, %eq3A_118 : i32
        %jit3A_120 = arith.constant 1 : i32
        %select_n3A_121 = arith.select %eq3A_119, %jit3A_120, %jit3A_117 : i32
        %rem3A_122 = arith.remsi %scan3A_32, %select_n3A_121 : i32
        %ne3A_123 = arith.constant 0 : i32
        %ne3A_124 = arith.cmpi ne, %rem3A_122, %ne3A_123 : i32
        %lt3A_125 = arith.constant 0 : i32
        %lt3A_126 = arith.cmpi slt, %rem3A_122, %lt3A_125 : i32
        %lt3A_127 = arith.constant 0 : i32
        %lt3A_128 = arith.cmpi slt, %select_n3A_121, %lt3A_127 : i32
        %ne3A_129 = arith.xori %lt3A_126, %lt3A_128 : i1
        %and3A_130 = arith.andi %ne3A_129, %ne3A_124 : i1
        %add3A_131 = arith.addi %rem3A_122, %select_n3A_121 : i32
        %select_n3A_132 = arith.select %and3A_130, %add3A_131, %rem3A_122 : i32
        %mul3A_133 = arith.constant 8388608 : i32
        %mul3A_134 = arith.muli %select_n3A_132, %mul3A_133 : i32
        %add3A_135 = arith.addi %mul3A_134, %mul3A_2 : i32
        %mul3A_136 = arith.constant 32768 : i32
        %mul3A_137 = arith.muli %select_n3A_116, %mul3A_136 : i32
        %add3A_138 = arith.addi %add3A_135, %mul3A_137 : i32
        %dma_wait3A_139 = arith.constant 1 : i32
        %dma_wait3A_140 = arith.constant 0 : i32
        %dma_wait3A_141 = tpu.memref_slice %arg5[%dma_wait3A_139, %dma_wait3A_140] : memref<2x32768xf32, #tpu.memory_space<vmem>> -> memref<1x32768xf32, #tpu.memory_space<vmem>>
        %dma_wait3A_142 = tpu.memref_squeeze %dma_wait3A_141 : memref<1x32768xf32, #tpu.memory_space<vmem>> -> memref<32768xf32, #tpu.memory_space<vmem>>
        %dma_wait3A_143 = tpu.memref_slice %arg2[%add3A_138] : memref<33554432xf32, #tpu.memory_space<hbm>> -> memref<32768xf32, #tpu.memory_space<hbm>>
        %dma_wait3A_144 = arith.constant 0 : i32
        %dma_wait3A_145 = tpu.memref_slice %arg5[%dma_wait3A_139, %dma_wait3A_144] : memref<2x32768xf32, #tpu.memory_space<vmem>> -> memref<1x32768xf32, #tpu.memory_space<vmem>>
        %dma_wait3A_146 = tpu.memref_squeeze %dma_wait3A_145 : memref<1x32768xf32, #tpu.memory_space<vmem>> -> memref<32768xf32, #tpu.memory_space<vmem>>
        %dma_wait3A_147 = tpu.memref_slice %arg2[%add3A_138] : memref<33554432xf32, #tpu.memory_space<hbm>> -> memref<32768xf32, #tpu.memory_space<hbm>>
        tpu.wait_dma2 semaphore(%arg8 : memref<!tpu.dma_semaphore, #tpu.memory_space<semaphore_mem>>) src(%dma_wait3A_147 : memref<32768xf32, #tpu.memory_space<hbm>>) dst(%dma_wait3A_146 : memref<32768xf32, #tpu.memory_space<vmem>>)
        %scan3A_148 = arith.constant 0 : i32
        %scan3A_149 = arith.constant 0 : i32
        %scan3A_150 = arith.constant 2048 : i32
        %scan3A_151 = arith.addi %scan3A_149, %scan3A_150 : i32
        %scan3A_152 = arith.constant 8 : i32
        scf.for %scan3A_209 = %scan3A_149 to %scan3A_151 step %scan3A_152  : i32 {
          %mul3A_210 = arith.constant 16 : i32
          %mul3A_211 = arith.muli %scan3A_209, %mul3A_210 : i32
          %get3A = arith.constant 1 : i32
          %get3A_212 = arith.constant 0 : i32
          %get3A_213 = tpu.memref_slice %arg5[%get3A, %get3A_212] : memref<2x32768xf32, #tpu.memory_space<vmem>> -> memref<1x32768xf32, #tpu.memory_space<vmem>>
          %get3A_214 = tpu.memref_squeeze %get3A_213 : memref<1x32768xf32, #tpu.memory_space<vmem>> -> memref<32768xf32, #tpu.memory_space<vmem>>
          %get3A_215 = arith.index_cast %mul3A_211 : i32 to index
          %get3A_216 = tpu.vector_load %get3A_214[%get3A_215] {strides = array<i32>} : memref<32768xf32, #tpu.memory_space<vmem>>, vector<16xf32>,
          %get3A_217 = vector.shape_cast %get3A_216 : vector<16xf32> to vector<16xf32>
          %get3A_218 = arith.index_cast %mul3A_211 : i32 to index
          %get3A_219 = tpu.vector_load %arg6[%get3A_218] {strides = array<i32>} : memref<32768xf32, #tpu.memory_space<vmem>>, vector<16xf32>,
          %get3A_220 = vector.shape_cast %get3A_219 : vector<16xf32> to vector<16xf32>
          %add3A_221 = arith.addf %get3A_217, %get3A_220 : vector<16xf32>
          %swap3A = arith.constant 1 : i32
          %swap3A_222 = arith.constant 0 : i32
          %swap3A_223 = tpu.memref_slice %arg5[%swap3A, %swap3A_222] : memref<2x32768xf32, #tpu.memory_space<vmem>> -> memref<1x32768xf32, #tpu.memory_space<vmem>>
          %swap3A_224 = tpu.memref_squeeze %swap3A_223 : memref<1x32768xf32, #tpu.memory_space<vmem>> -> memref<32768xf32, #tpu.memory_space<vmem>>
          %swap3A_225 = arith.index_cast %mul3A_211 : i32 to index
          %swap3A_226 = tpu.vector_load %swap3A_224[%swap3A_225] {strides = array<i32>} : memref<32768xf32, #tpu.memory_space<vmem>>, vector<16xf32>,
          %swap3A_227 = vector.shape_cast %swap3A_226 : vector<16xf32> to vector<16xf32>
          %swap3A_228 = vector.shape_cast %add3A_221 : vector<16xf32> to vector<16xf32>
          tpu.vector_store %swap3A_224[%swap3A_225], %swap3A_228 {strides = array<i32>} : memref<32768xf32, #tpu.memory_space<vmem>>, vector<16xf32>,
          %scan3A_229 = arith.constant 1 : i32
          %scan3A_230 = arith.addi %scan3A_209, %scan3A_229 : i32
          %mul3A_231 = arith.constant 16 : i32
          %mul3A_232 = arith.muli %scan3A_230, %mul3A_231 : i32
          %get3A_233 = arith.constant 1 : i32
          %get3A_234 = arith.constant 0 : i32
          %get3A_235 = tpu.memref_slice %arg5[%get3A_233, %get3A_234] : memref<2x32768xf32, #tpu.memory_space<vmem>> -> memref<1x32768xf32, #tpu.memory_space<vmem>>
          %get3A_236 = tpu.memref_squeeze %get3A_235 : memref<1x32768xf32, #tpu.memory_space<vmem>> -> memref<32768xf32, #tpu.memory_space<vmem>>
          %get3A_237 = arith.index_cast %mul3A_232 : i32 to index
          %get3A_238 = tpu.vector_load %get3A_236[%get3A_237] {strides = array<i32>} : memref<32768xf32, #tpu.memory_space<vmem>>, vector<16xf32>,
          %get3A_239 = vector.shape_cast %get3A_238 : vector<16xf32> to vector<16xf32>
          %get3A_240 = arith.index_cast %mul3A_232 : i32 to index
          %get3A_241 = tpu.vector_load %arg6[%get3A_240] {strides = array<i32>} : memref<32768xf32, #tpu.memory_space<vmem>>, vector<16xf32>,
          %get3A_242 = vector.shape_cast %get3A_241 : vector<16xf32> to vector<16xf32>
          %add3A_243 = arith.addf %get3A_239, %get3A_242 : vector<16xf32>
          %swap3A_244 = arith.constant 1 : i32
          %swap3A_245 = arith.constant 0 : i32
          %swap3A_246 = tpu.memref_slice %arg5[%swap3A_244, %swap3A_245] : memref<2x32768xf32, #tpu.memory_space<vmem>> -> memref<1x32768xf32, #tpu.memory_space<vmem>>
          %swap3A_247 = tpu.memref_squeeze %swap3A_246 : memref<1x32768xf32, #tpu.memory_space<vmem>> -> memref<32768xf32, #tpu.memory_space<vmem>>
          %swap3A_248 = arith.index_cast %mul3A_232 : i32 to index
          %swap3A_249 = tpu.vector_load %swap3A_247[%swap3A_248] {strides = array<i32>} : memref<32768xf32, #tpu.memory_space<vmem>>, vector<16xf32>,
          %swap3A_250 = vector.shape_cast %swap3A_249 : vector<16xf32> to vector<16xf32>
          %swap3A_251 = vector.shape_cast %add3A_243 : vector<16xf32> to vector<16xf32>
          tpu.vector_store %swap3A_247[%swap3A_248], %swap3A_251 {strides = array<i32>} : memref<32768xf32, #tpu.memory_space<vmem>>, vector<16xf32>,
          %scan3A_252 = arith.constant 2 : i32
          %scan3A_253 = arith.addi %scan3A_209, %scan3A_252 : i32
          %mul3A_254 = arith.constant 16 : i32
          %mul3A_255 = arith.muli %scan3A_253, %mul3A_254 : i32
          %get3A_256 = arith.constant 1 : i32
          %get3A_257 = arith.constant 0 : i32
          %get3A_258 = tpu.memref_slice %arg5[%get3A_256, %get3A_257] : memref<2x32768xf32, #tpu.memory_space<vmem>> -> memref<1x32768xf32, #tpu.memory_space<vmem>>
          %get3A_259 = tpu.memref_squeeze %get3A_258 : memref<1x32768xf32, #tpu.memory_space<vmem>> -> memref<32768xf32, #tpu.memory_space<vmem>>
          %get3A_260 = arith.index_cast %mul3A_255 : i32 to index
          %get3A_261 = tpu.vector_load %get3A_259[%get3A_260] {strides = array<i32>} : memref<32768xf32, #tpu.memory_space<vmem>>, vector<16xf32>,
          %get3A_262 = vector.shape_cast %get3A_261 : vector<16xf32> to vector<16xf32>
          %get3A_263 = arith.index_cast %mul3A_255 : i32 to index
          %get3A_264 = tpu.vector_load %arg6[%get3A_263] {strides = array<i32>} : memref<32768xf32, #tpu.memory_space<vmem>>, vector<16xf32>,
          %get3A_265 = vector.shape_cast %get3A_264 : vector<16xf32> to vector<16xf32>
          %add3A_266 = arith.addf %get3A_262, %get3A_265 : vector<16xf32>
          %swap3A_267 = arith.constant 1 : i32
          %swap3A_268 = arith.constant 0 : i32
          %swap3A_269 = tpu.memref_slice %arg5[%swap3A_267, %swap3A_268] : memref<2x32768xf32, #tpu.memory_space<vmem>> -> memref<1x32768xf32, #tpu.memory_space<vmem>>
          %swap3A_270 = tpu.memref_squeeze %swap3A_269 : memref<1x32768xf32, #tpu.memory_space<vmem>> -> memref<32768xf32, #tpu.memory_space<vmem>>
          %swap3A_271 = arith.index_cast %mul3A_255 : i32 to index
          %swap3A_272 = tpu.vector_load %swap3A_270[%swap3A_271] {strides = array<i32>} : memref<32768xf32, #tpu.memory_space<vmem>>, vector<16xf32>,
          %swap3A_273 = vector.shape_cast %swap3A_272 : vector<16xf32> to vector<16xf32>
          %swap3A_274 = vector.shape_cast %add3A_266 : vector<16xf32> to vector<16xf32>
          tpu.vector_store %swap3A_270[%swap3A_271], %swap3A_274 {strides = array<i32>} : memref<32768xf32, #tpu.memory_space<vmem>>, vector<16xf32>,
          %scan3A_275 = arith.constant 3 : i32
          %scan3A_276 = arith.addi %scan3A_209, %scan3A_275 : i32
          %mul3A_277 = arith.constant 16 : i32
          %mul3A_278 = arith.muli %scan3A_276, %mul3A_277 : i32
          %get3A_279 = arith.constant 1 : i32
          %get3A_280 = arith.constant 0 : i32
          %get3A_281 = tpu.memref_slice %arg5[%get3A_279, %get3A_280] : memref<2x32768xf32, #tpu.memory_space<vmem>> -> memref<1x32768xf32, #tpu.memory_space<vmem>>
          %get3A_282 = tpu.memref_squeeze %get3A_281 : memref<1x32768xf32, #tpu.memory_space<vmem>> -> memref<32768xf32, #tpu.memory_space<vmem>>
          %get3A_283 = arith.index_cast %mul3A_278 : i32 to index
          %get3A_284 = tpu.vector_load %get3A_282[%get3A_283] {strides = array<i32>} : memref<32768xf32, #tpu.memory_space<vmem>>, vector<16xf32>,
          %get3A_285 = vector.shape_cast %get3A_284 : vector<16xf32> to vector<16xf32>
          %get3A_286 = arith.index_cast %mul3A_278 : i32 to index
          %get3A_287 = tpu.vector_load %arg6[%get3A_286] {strides = array<i32>} : memref<32768xf32, #tpu.memory_space<vmem>>, vector<16xf32>,
          %get3A_288 = vector.shape_cast %get3A_287 : vector<16xf32> to vector<16xf32>
          %add3A_289 = arith.addf %get3A_285, %get3A_288 : vector<16xf32>
          %swap3A_290 = arith.constant 1 : i32
          %swap3A_291 = arith.constant 0 : i32
          %swap3A_292 = tpu.memref_slice %arg5[%swap3A_290, %swap3A_291] : memref<2x32768xf32, #tpu.memory_space<vmem>> -> memref<1x32768xf32, #tpu.memory_space<vmem>>
          %swap3A_293 = tpu.memref_squeeze %swap3A_292 : memref<1x32768xf32, #tpu.memory_space<vmem>> -> memref<32768xf32, #tpu.memory_space<vmem>>
          %swap3A_294 = arith.index_cast %mul3A_278 : i32 to index
          %swap3A_295 = tpu.vector_load %swap3A_293[%swap3A_294] {strides = array<i32>} : memref<32768xf32, #tpu.memory_space<vmem>>, vector<16xf32>,
          %swap3A_296 = vector.shape_cast %swap3A_295 : vector<16xf32> to vector<16xf32>
          %swap3A_297 = vector.shape_cast %add3A_289 : vector<16xf32> to vector<16xf32>
          tpu.vector_store %swap3A_293[%swap3A_294], %swap3A_297 {strides = array<i32>} : memref<32768xf32, #tpu.memory_space<vmem>>, vector<16xf32>,
          %scan3A_298 = arith.constant 4 : i32
          %scan3A_299 = arith.addi %scan3A_209, %scan3A_298 : i32
          %mul3A_300 = arith.constant 16 : i32
          %mul3A_301 = arith.muli %scan3A_299, %mul3A_300 : i32
          %get3A_302 = arith.constant 1 : i32
          %get3A_303 = arith.constant 0 : i32
          %get3A_304 = tpu.memref_slice %arg5[%get3A_302, %get3A_303] : memref<2x32768xf32, #tpu.memory_space<vmem>> -> memref<1x32768xf32, #tpu.memory_space<vmem>>
          %get3A_305 = tpu.memref_squeeze %get3A_304 : memref<1x32768xf32, #tpu.memory_space<vmem>> -> memref<32768xf32, #tpu.memory_space<vmem>>
          %get3A_306 = arith.index_cast %mul3A_301 : i32 to index
          %get3A_307 = tpu.vector_load %get3A_305[%get3A_306] {strides = array<i32>} : memref<32768xf32, #tpu.memory_space<vmem>>, vector<16xf32>,
          %get3A_308 = vector.shape_cast %get3A_307 : vector<16xf32> to vector<16xf32>
          %get3A_309 = arith.index_cast %mul3A_301 : i32 to index
          %get3A_310 = tpu.vector_load %arg6[%get3A_309] {strides = array<i32>} : memref<32768xf32, #tpu.memory_space<vmem>>, vector<16xf32>,
          %get3A_311 = vector.shape_cast %get3A_310 : vector<16xf32> to vector<16xf32>
          %add3A_312 = arith.addf %get3A_308, %get3A_311 : vector<16xf32>
          %swap3A_313 = arith.constant 1 : i32
          %swap3A_314 = arith.constant 0 : i32
          %swap3A_315 = tpu.memref_slice %arg5[%swap3A_313, %swap3A_314] : memref<2x32768xf32, #tpu.memory_space<vmem>> -> memref<1x32768xf32, #tpu.memory_space<vmem>>
          %swap3A_316 = tpu.memref_squeeze %swap3A_315 : memref<1x32768xf32, #tpu.memory_space<vmem>> -> memref<32768xf32, #tpu.memory_space<vmem>>
          %swap3A_317 = arith.index_cast %mul3A_301 : i32 to index
          %swap3A_318 = tpu.vector_load %swap3A_316[%swap3A_317] {strides = array<i32>} : memref<32768xf32, #tpu.memory_space<vmem>>, vector<16xf32>,
          %swap3A_319 = vector.shape_cast %swap3A_318 : vector<16xf32> to vector<16xf32>
          %swap3A_320 = vector.shape_cast %add3A_312 : vector<16xf32> to vector<16xf32>
          tpu.vector_store %swap3A_316[%swap3A_317], %swap3A_320 {strides = array<i32>} : memref<32768xf32, #tpu.memory_space<vmem>>, vector<16xf32>,
          %scan3A_321 = arith.constant 5 : i32
          %scan3A_322 = arith.addi %scan3A_209, %scan3A_321 : i32
          %mul3A_323 = arith.constant 16 : i32
          %mul3A_324 = arith.muli %scan3A_322, %mul3A_323 : i32
          %get3A_325 = arith.constant 1 : i32
          %get3A_326 = arith.constant 0 : i32
          %get3A_327 = tpu.memref_slice %arg5[%get3A_325, %get3A_326] : memref<2x32768xf32, #tpu.memory_space<vmem>> -> memref<1x32768xf32, #tpu.memory_space<vmem>>
          %get3A_328 = tpu.memref_squeeze %get3A_327 : memref<1x32768xf32, #tpu.memory_space<vmem>> -> memref<32768xf32, #tpu.memory_space<vmem>>
          %get3A_329 = arith.index_cast %mul3A_324 : i32 to index
          %get3A_330 = tpu.vector_load %get3A_328[%get3A_329] {strides = array<i32>} : memref<32768xf32, #tpu.memory_space<vmem>>, vector<16xf32>,
          %get3A_331 = vector.shape_cast %get3A_330 : vector<16xf32> to vector<16xf32>
          %get3A_332 = arith.index_cast %mul3A_324 : i32 to index
          %get3A_333 = tpu.vector_load %arg6[%get3A_332] {strides = array<i32>} : memref<32768xf32, #tpu.memory_space<vmem>>, vector<16xf32>,
          %get3A_334 = vector.shape_cast %get3A_333 : vector<16xf32> to vector<16xf32>
          %add3A_335 = arith.addf %get3A_331, %get3A_334 : vector<16xf32>
          %swap3A_336 = arith.constant 1 : i32
          %swap3A_337 = arith.constant 0 : i32
          %swap3A_338 = tpu.memref_slice %arg5[%swap3A_336, %swap3A_337] : memref<2x32768xf32, #tpu.memory_space<vmem>> -> memref<1x32768xf32, #tpu.memory_space<vmem>>
          %swap3A_339 = tpu.memref_squeeze %swap3A_338 : memref<1x32768xf32, #tpu.memory_space<vmem>> -> memref<32768xf32, #tpu.memory_space<vmem>>
          %swap3A_340 = arith.index_cast %mul3A_324 : i32 to index
          %swap3A_341 = tpu.vector_load %swap3A_339[%swap3A_340] {strides = array<i32>} : memref<32768xf32, #tpu.memory_space<vmem>>, vector<16xf32>,
          %swap3A_342 = vector.shape_cast %swap3A_341 : vector<16xf32> to vector<16xf32>
          %swap3A_343 = vector.shape_cast %add3A_335 : vector<16xf32> to vector<16xf32>
          tpu.vector_store %swap3A_339[%swap3A_340], %swap3A_343 {strides = array<i32>} : memref<32768xf32, #tpu.memory_space<vmem>>, vector<16xf32>,
          %scan3A_344 = arith.constant 6 : i32
          %scan3A_345 = arith.addi %scan3A_209, %scan3A_344 : i32
          %mul3A_346 = arith.constant 16 : i32
          %mul3A_347 = arith.muli %scan3A_345, %mul3A_346 : i32
          %get3A_348 = arith.constant 1 : i32
          %get3A_349 = arith.constant 0 : i32
          %get3A_350 = tpu.memref_slice %arg5[%get3A_348, %get3A_349] : memref<2x32768xf32, #tpu.memory_space<vmem>> -> memref<1x32768xf32, #tpu.memory_space<vmem>>
          %get3A_351 = tpu.memref_squeeze %get3A_350 : memref<1x32768xf32, #tpu.memory_space<vmem>> -> memref<32768xf32, #tpu.memory_space<vmem>>
          %get3A_352 = arith.index_cast %mul3A_347 : i32 to index
          %get3A_353 = tpu.vector_load %get3A_351[%get3A_352] {strides = array<i32>} : memref<32768xf32, #tpu.memory_space<vmem>>, vector<16xf32>,
          %get3A_354 = vector.shape_cast %get3A_353 : vector<16xf32> to vector<16xf32>
          %get3A_355 = arith.index_cast %mul3A_347 : i32 to index
          %get3A_356 = tpu.vector_load %arg6[%get3A_355] {strides = array<i32>} : memref<32768xf32, #tpu.memory_space<vmem>>, vector<16xf32>,
          %get3A_357 = vector.shape_cast %get3A_356 : vector<16xf32> to vector<16xf32>
          %add3A_358 = arith.addf %get3A_354, %get3A_357 : vector<16xf32>
          %swap3A_359 = arith.constant 1 : i32
          %swap3A_360 = arith.constant 0 : i32
          %swap3A_361 = tpu.memref_slice %arg5[%swap3A_359, %swap3A_360] : memref<2x32768xf32, #tpu.memory_space<vmem>> -> memref<1x32768xf32, #tpu.memory_space<vmem>>
          %swap3A_362 = tpu.memref_squeeze %swap3A_361 : memref<1x32768xf32, #tpu.memory_space<vmem>> -> memref<32768xf32, #tpu.memory_space<vmem>>
          %swap3A_363 = arith.index_cast %mul3A_347 : i32 to index
          %swap3A_364 = tpu.vector_load %swap3A_362[%swap3A_363] {strides = array<i32>} : memref<32768xf32, #tpu.memory_space<vmem>>, vector<16xf32>,
          %swap3A_365 = vector.shape_cast %swap3A_364 : vector<16xf32> to vector<16xf32>
          %swap3A_366 = vector.shape_cast %add3A_358 : vector<16xf32> to vector<16xf32>
          tpu.vector_store %swap3A_362[%swap3A_363], %swap3A_366 {strides = array<i32>} : memref<32768xf32, #tpu.memory_space<vmem>>, vector<16xf32>,
          %scan3A_367 = arith.constant 7 : i32
          %scan3A_368 = arith.addi %scan3A_209, %scan3A_367 : i32
          %mul3A_369 = arith.constant 16 : i32
          %mul3A_370 = arith.muli %scan3A_368, %mul3A_369 : i32
          %get3A_371 = arith.constant 1 : i32
          %get3A_372 = arith.constant 0 : i32
          %get3A_373 = tpu.memref_slice %arg5[%get3A_371, %get3A_372] : memref<2x32768xf32, #tpu.memory_space<vmem>> -> memref<1x32768xf32, #tpu.memory_space<vmem>>
          %get3A_374 = tpu.memref_squeeze %get3A_373 : memref<1x32768xf32, #tpu.memory_space<vmem>> -> memref<32768xf32, #tpu.memory_space<vmem>>
          %get3A_375 = arith.index_cast %mul3A_370 : i32 to index
          %get3A_376 = tpu.vector_load %get3A_374[%get3A_375] {strides = array<i32>} : memref<32768xf32, #tpu.memory_space<vmem>>, vector<16xf32>,
          %get3A_377 = vector.shape_cast %get3A_376 : vector<16xf32> to vector<16xf32>
          %get3A_378 = arith.index_cast %mul3A_370 : i32 to index
          %get3A_379 = tpu.vector_load %arg6[%get3A_378] {strides = array<i32>} : memref<32768xf32, #tpu.memory_space<vmem>>, vector<16xf32>,
          %get3A_380 = vector.shape_cast %get3A_379 : vector<16xf32> to vector<16xf32>
          %add3A_381 = arith.addf %get3A_377, %get3A_380 : vector<16xf32>
          %swap3A_382 = arith.constant 1 : i32
          %swap3A_383 = arith.constant 0 : i32
          %swap3A_384 = tpu.memref_slice %arg5[%swap3A_382, %swap3A_383] : memref<2x32768xf32, #tpu.memory_space<vmem>> -> memref<1x32768xf32, #tpu.memory_space<vmem>>
          %swap3A_385 = tpu.memref_squeeze %swap3A_384 : memref<1x32768xf32, #tpu.memory_space<vmem>> -> memref<32768xf32, #tpu.memory_space<vmem>>
          %swap3A_386 = arith.index_cast %mul3A_370 : i32 to index
          %swap3A_387 = tpu.vector_load %swap3A_385[%swap3A_386] {strides = array<i32>} : memref<32768xf32, #tpu.memory_space<vmem>>, vector<16xf32>,
          %swap3A_388 = vector.shape_cast %swap3A_387 : vector<16xf32> to vector<16xf32>
          %swap3A_389 = vector.shape_cast %add3A_381 : vector<16xf32> to vector<16xf32>
          tpu.vector_store %swap3A_385[%swap3A_386], %swap3A_389 {strides = array<i32>} : memref<32768xf32, #tpu.memory_space<vmem>>, vector<16xf32>,
        }
        %scan3A_153 = arith.constant 2048 : i32
        %jit3A_154 = arith.constant 4 : i32
        %div3A_155 = arith.divsi %scan3A_32, %jit3A_154 : i32
        %sign3A_156 = arith.constant 0 : i32
        %sign3A_157 = arith.cmpi sgt, %scan3A_32, %sign3A_156 : i32
        %sign3A_158 = arith.extui %sign3A_157 : i1 to i32
        %sign3A_159 = arith.constant 0 : i32
        %sign3A_160 = arith.cmpi slt, %scan3A_32, %sign3A_159 : i32
        %sign3A_161 = arith.extui %sign3A_160 : i1 to i32
        %sign3A_162 = arith.subi %sign3A_158, %sign3A_161 : i32
        %sign3A_163 = arith.constant 0 : i32
        %sign3A_164 = arith.cmpi sgt, %jit3A_154, %sign3A_163 : i32
        %sign3A_165 = arith.extui %sign3A_164 : i1 to i32
        %sign3A_166 = arith.constant 0 : i32
        %sign3A_167 = arith.cmpi slt, %jit3A_154, %sign3A_166 : i32
        %sign3A_168 = arith.extui %sign3A_167 : i1 to i32
        %sign3A_169 = arith.subi %sign3A_165, %sign3A_168 : i32
        %ne3A_170 = arith.cmpi ne, %sign3A_162, %sign3A_169 : i32
        %rem3A_171 = arith.remsi %scan3A_32, %jit3A_154 : i32
        %ne3A_172 = arith.constant 0 : i32
        %ne3A_173 = arith.cmpi ne, %rem3A_171, %ne3A_172 : i32
        %and3A_174 = arith.andi %ne3A_170, %ne3A_173 : i1
        %sub3A_175 = arith.constant 1 : i32
        %sub3A_176 = arith.subi %div3A_155, %sub3A_175 : i32
        %select_n3A_177 = arith.select %and3A_174, %sub3A_176, %div3A_155 : i32
        %jit3A_178 = arith.constant 4 : i32
        %eq3A_179 = arith.constant 0 : i32
        %eq3A_180 = arith.cmpi eq, %jit3A_178, %eq3A_179 : i32
        %jit3A_181 = arith.constant 1 : i32
        %select_n3A_182 = arith.select %eq3A_180, %jit3A_181, %jit3A_178 : i32
        %rem3A_183 = arith.remsi %scan3A_32, %select_n3A_182 : i32
        %ne3A_184 = arith.constant 0 : i32
        %ne3A_185 = arith.cmpi ne, %rem3A_183, %ne3A_184 : i32
        %lt3A_186 = arith.constant 0 : i32
        %lt3A_187 = arith.cmpi slt, %rem3A_183, %lt3A_186 : i32
        %lt3A_188 = arith.constant 0 : i32
        %lt3A_189 = arith.cmpi slt, %select_n3A_182, %lt3A_188 : i32
        %ne3A_190 = arith.xori %lt3A_187, %lt3A_189 : i1
        %and3A_191 = arith.andi %ne3A_190, %ne3A_185 : i1
        %add3A_192 = arith.addi %rem3A_183, %select_n3A_182 : i32
        %select_n3A_193 = arith.select %and3A_191, %add3A_192, %rem3A_183 : i32
        %mul3A_194 = arith.constant 8388608 : i32
        %mul3A_195 = arith.muli %select_n3A_193, %mul3A_194 : i32
        %add3A_196 = arith.addi %mul3A_195, %mul3A_2 : i32
        %mul3A_197 = arith.constant 32768 : i32
        %mul3A_198 = arith.muli %select_n3A_177, %mul3A_197 : i32
        %add3A_199 = arith.addi %add3A_196, %mul3A_198 : i32
        %dma_start3A_200 = arith.constant 1 : i32
        %dma_start3A_201 = arith.constant 0 : i32
        %dma_start3A_202 = tpu.memref_slice %arg5[%dma_start3A_200, %dma_start3A_201] : memref<2x32768xf32, #tpu.memory_space<vmem>> -> memref<1x32768xf32, #tpu.memory_space<vmem>>
        %dma_start3A_203 = tpu.memref_squeeze %dma_start3A_202 : memref<1x32768xf32, #tpu.memory_space<vmem>> -> memref<32768xf32, #tpu.memory_space<vmem>>
        %dma_start3A_204 = tpu.memref_slice %arg4[%add3A_199] : memref<33554432xf32, #tpu.memory_space<hbm>> -> memref<32768xf32, #tpu.memory_space<hbm>>
        %dma_start3A_205 = tpu.memref_slice %arg4[%add3A_199] : memref<33554432xf32, #tpu.memory_space<hbm>> -> memref<32768xf32, #tpu.memory_space<hbm>>
        %dma_start3A_206 = arith.constant 0 : i32
        %dma_start3A_207 = tpu.memref_slice %arg5[%dma_start3A_200, %dma_start3A_206] : memref<2x32768xf32, #tpu.memory_space<vmem>> -> memref<1x32768xf32, #tpu.memory_space<vmem>>
        %dma_start3A_208 = tpu.memref_squeeze %dma_start3A_207 : memref<1x32768xf32, #tpu.memory_space<vmem>> -> memref<32768xf32, #tpu.memory_space<vmem>>
        tpu.enqueue_dma source(%dma_start3A_208 : memref<32768xf32, #tpu.memory_space<vmem>>) target(%dma_start3A_205 : memref<32768xf32, #tpu.memory_space<hbm>>) target_semaphore(%arg10 : memref<!tpu.dma_semaphore, #tpu.memory_space<semaphore_mem>>)
      } else {
      }
    }
    %scan3A_19 = arith.constant 32 : i32
    %add3A_20 = arith.constant 25165824 : i32
    %add3A_21 = arith.addi %add3A_20, %mul3A_2 : i32
    %add3A_22 = arith.constant 229376 : i32
    %add3A_23 = arith.addi %add3A_21, %add3A_22 : i32
    %dma_wait3A = arith.constant 1 : i32
    %dma_wait3A_24 = arith.constant 0 : i32
    %dma_wait3A_25 = tpu.memref_slice %arg5[%dma_wait3A, %dma_wait3A_24] : memref<2x32768xf32, #tpu.memory_space<vmem>> -> memref<1x32768xf32, #tpu.memory_space<vmem>>
    %dma_wait3A_26 = tpu.memref_squeeze %dma_wait3A_25 : memref<1x32768xf32, #tpu.memory_space<vmem>> -> memref<32768xf32, #tpu.memory_space<vmem>>
    %dma_wait3A_27 = tpu.memref_slice %arg4[%add3A_23] : memref<33554432xf32, #tpu.memory_space<hbm>> -> memref<32768xf32, #tpu.memory_space<hbm>>
    %dma_wait3A_28 = tpu.memref_slice %arg4[%add3A_23] : memref<33554432xf32, #tpu.memory_space<hbm>> -> memref<32768xf32, #tpu.memory_space<hbm>>
    %dma_wait3A_29 = arith.constant 0 : i32
    %dma_wait3A_30 = tpu.memref_slice %arg5[%dma_wait3A, %dma_wait3A_29] : memref<2x32768xf32, #tpu.memory_space<vmem>> -> memref<1x32768xf32, #tpu.memory_space<vmem>>
    %dma_wait3A_31 = tpu.memref_squeeze %dma_wait3A_30 : memref<1x32768xf32, #tpu.memory_space<vmem>> -> memref<32768xf32, #tpu.memory_space<vmem>>
    tpu.wait_dma2 semaphore(%arg10 : memref<!tpu.dma_semaphore, #tpu.memory_space<semaphore_mem>>) src(%dma_wait3A_31 : memref<32768xf32, #tpu.memory_space<vmem>>) dst(%dma_wait3A_28 : memref<32768xf32, #tpu.memory_space<hbm>>)
    return
  }
}

</mosaic_0001>

<sc_bundles>
// kernel: kernel.3.cloned.1.call-start
scs
__scs_entry_jumppad:
0x0: {  	(pc) =	sbr.rel $0x88, $3  }
0x1: {  	(tag) =	ssettag $0x0;
	lr =	simm.s32 $0x1  }
0x2: {  	[smem:$0x3F9F] =	sst lr;
	_ =	strace $0xD0000000  }
0x3: {  	_ = 	snop  }
0x4: {  	_ = 	snop  }
0x5: {  	_ = 	snop  }
0x6: {  	_ = 	snop  }
0x7: {  	_ = 	snop  }
__scs_overlays_trampoline_lowered:
0x8: {  	[smem:$0x3FAE] =	sst s0  }
0x9: {  	[smem:$0x3FAF] =	sst s1  }
0xa: {  	[smem:$0x3FB0] =	sst s2  }
0xb: {  	[smem:$0x3FB1] =	sst s3  }
0xc: {  	[smem:$0x3FB2] =	sst s4  }
0xd: {  	[smem:$0x3FB3] =	sst s5  }
0xe: {  	[smem:$0x3FB4] =	sst s6  }
0xf: {  	[smem:$0x3FB5] =	sst s7  }
0x10: {  	[smem:$0x3FB6] =	sst s8  }
0x11: {  	[smem:$0x3FB7] =	sst s9;
	s0 =	simm.s32 @!p0 $0x0  }
0x12: {  	s1 =	sld [smem:$0x3F9D];
	s0 =	simm.s32 @p0 $0x1  }
0x13: {  	[smem:$0x3FB8] =	sst s0;
	s0 =	simm.s32 @!p1 $0x0  }
0x14: {  	s2 =	sld [smem:$0x3F9C];
	s0 =	simm.s32 @p1 $0x1  }
0x15: {  	[smem:$0x3FB9] =	sst s0;
	s0 =	simm.s32 @!p2 $0x0  }
0x16: {  	s3 =	sld [smem:$0x3FDB];
	s0 =	simm.s32 @p2 $0x1  }
0x17: {  	s4 =	simm.s32 $0x1BF5;
	[smem:$0x3FBB] =	sst s0  }
0x18: {  	s0 =	sld [smem:$0x3F9E];
	_ =	swait.ge [sflag:s4], $0x0  }
0x19: {  	s7 =	sld [smem:$0x3F9F]  }
0x1a: {  	s8 =	sadd.s32 $0xFFFFE003, lr  }
0x1b: {  	s9 =	sadd.s32 $0xFFFFFEF7, lr;
	s5 =	simm.s32 $0xFFFFFFFF;
	p2 =	slt.u32 s8, $0xFFFFF086  }
0x1c: {  	p1 =	slt.u32 s9, $0xF7A;
	s5 =	simm.s32 @!p2 $0x0  }
0x1d: {  	s5 =	simm.s32 @p1 $0x1;
	p0 =	seq.s32 s7, s2  }
0x1e: {  	s7 =	smul.u32 @!p0 $0xF7A, s2;
	p2 =	seq.s32 @!p0 s5, $0x0  }
0x1f: {  	s9 =	smul.u32 $0xF7A, s1;
	s8 =	simm.s32 @!p0 $0x1BF5;
	p2 =	por !p2, p0  }
0x20: {  	[sflag:s8] =	ssyncset.s32 @!p0 $0xFFFFF086;
	s6 =	sadd.s32 @!p0 s3, s7;
	s7 =	simm.s32 @!p0 $0x108  }
0x21: {  	s3 =	sadd.s32 s3, s9;
	s6 =	sadd.s32 @!p0 $0x88, s6;
	s7 =	simm.s32 @p2 $0x1082  }
0x22: {  	[simem:s7], [sflag:s8] =	dma.local @!p0 [hbm:s6], $0xF7A  }
0x23: {  	s9 =	sor.u32 $0xD0000000, s2;
	s6 =	simm.s32 $0x108;
	_ =	swait.ge @!p0 [sflag:s8], $0x0  }
0x24: {  	s3 =	sadd.s32 $0x88, s3;
	s6 =	simm.s32 @!p1 $0x1082;
	[sflag:s4] =	ssyncset.s32 $0xFFFFF086  }
0x25: {  	[simem:s6], [sflag:s4] =	dma.local [hbm:s3], $0xF7A  }
0x26: {  	[smem:$0x3F9F] =	sst s1;
	(tag) =	ssettag s2;
	_ =	strace s9  }
0x27: {  	s1 =	sld [smem:$0x3FAF]  }
0x28: {  	s2 =	sld [smem:$0x3FB0]  }
0x29: {  	s4 =	sld [smem:$0x3FB2]  }
0x2a: {  	p0 =	seq.s32 s5, $0x0;
	s5 =	sld [smem:$0x3FB3]  }
0x2b: {  	s6 =	sld [smem:$0x3FB4]  }
0x2c: {  	s7 =	sld [smem:$0x3FB5]  }
0x2d: {  	s3 =	simm.s32 $0x108;
	s8 =	sld [smem:$0x3FB6]  }
0x2e: {  	s3 =	simm.s32 @!p0 $0x1082;
	s9 =	sld [smem:$0x3FB7]  }
0x2f: {  	lr =	sadd.s32 s0, s3;
	s0 =	sld [smem:$0x3FAE]  }
0x30: {  	s3 =	sld [smem:$0x3FB1]  }
0x31: {  	[smem:$0x3FBA] =	sst s10  }
0x32: {  	s10 =	sld [smem:$0x3FB8];
	_ =	sdelay $0x3  }
0x33: {  	p0 =	seq.s32 s10, $0x1;
	s10 =	sld [smem:$0x3FBA];
	_ =	sdelay $0x3  }
0x34: {  	[smem:$0x3FBA] =	sst s10  }
0x35: {  	s10 =	sld [smem:$0x3FB9];
	_ =	sdelay $0x3  }
0x36: {  	p1 =	seq.s32 s10, $0x1;
	s10 =	sld [smem:$0x3FBA];
	_ =	sdelay $0x3  }
0x37: {  	[smem:$0x3FBA] =	sst s10  }
0x38: {  	s10 =	sld [smem:$0x3FBB]  }
0x39: {  	_ = 	snop;
	(pc) =	sbr.ind lr, $3  }
0x3a: {  	_ = 	snop  }
0x3b: {  	_ = 	snop  }
0x3c: {  	p2 =	seq.s32 s10, $0x1;
	s10 =	sld [smem:$0x3FBA]  }
0x3d: {  	_ =	shalt  }
0x3e: {  	_ =	shalt  }
0x3f: {  	_ =	shalt  }
0x40: {  	_ =	shalt  }
0x41: {  	_ =	shalt  }
0x42: {  	_ =	shalt  }
0x43: {  	_ =	shalt  }
0x44: {  	_ =	shalt  }
0x45: {  	_ =	shalt  }
0x46: {  	_ =	shalt  }
0x47: {  	_ =	shalt  }
0x48: {  	_ =	shalt  }
0x49: {  	_ =	shalt  }
0x4a: {  	_ =	shalt  }
0x4b: {  	_ =	shalt  }
0x4c: {  	_ =	shalt  }
0x4d: {  	_ =	shalt  }
0x4e: {  	_ =	shalt  }
0x4f: {  	_ =	shalt  }
0x50: {  	_ =	shalt  }
0x51: {  	_ =	shalt  }
0x52: {  	_ =	shalt  }
0x53: {  	_ =	shalt  }
0x54: {  	_ =	shalt  }
0x55: {  	_ =	shalt  }
0x56: {  	_ =	shalt  }
0x57: {  	_ =	shalt  }
0x58: {  	_ =	shalt  }
0x59: {  	_ =	shalt  }
0x5a: {  	_ =	shalt  }
0x5b: {  	_ =	shalt  }
0x5c: {  	_ =	shalt  }
0x5d: {  	_ =	shalt  }
0x5e: {  	_ =	shalt  }
0x5f: {  	_ =	shalt  }
0x60: {  	_ =	shalt  }
0x61: {  	_ =	shalt  }
0x62: {  	_ =	shalt  }
0x63: {  	_ =	shalt  }
0x64: {  	_ =	shalt  }
0x65: {  	_ =	shalt  }
0x66: {  	_ =	shalt  }
0x67: {  	_ =	shalt  }
0x68: {  	_ =	shalt  }
0x69: {  	_ =	shalt  }
0x6a: {  	_ =	shalt  }
0x6b: {  	_ =	shalt  }
0x6c: {  	_ =	shalt  }
0x6d: {  	_ =	shalt  }
0x6e: {  	_ =	shalt  }
0x6f: {  	_ =	shalt  }
0x70: {  	_ =	shalt  }
0x71: {  	_ =	shalt  }
0x72: {  	_ =	shalt  }
0x73: {  	_ =	shalt  }
0x74: {  	_ =	shalt  }
0x75: {  	_ =	shalt  }
0x76: {  	_ =	shalt  }
0x77: {  	_ =	shalt  }
0x78: {  	_ =	shalt  }
0x79: {  	_ =	shalt  }
0x7a: {  	_ =	shalt  }
0x7b: {  	_ =	shalt  }
0x7c: {  	_ =	shalt  }
0x7d: {  	_ =	shalt  }
0x7e: {  	_ =	shalt  }
0x7f: {  	_ =	shalt  }
0x80: {  	_ =	shalt  }
0x81: {  	_ =	shalt  }
0x82: {  	_ =	shalt  }
0x83: {  	_ =	shalt  }
0x84: {  	_ =	shalt  }
0x85: {  	_ =	shalt  }
0x86: {  	_ =	shalt  }
0x87: {  	_ =	shalt  }
.Lfunc_end0:
.L_simem_size_0:
called_computation.2_lowered:
.L_overlay_start_0:
0x88: {  	s2 =	sld [smem:$0x3FD9]  }
0x89: {  	s3 =	sld [smem:$0x3FFE];
	_ =	sdelay $0x1  }
0x8a: {  	s1 =	srdreg.scid  }
0x8b: {  	s0 =	sand.u32 $0x1, s1  }
0x8c: {  	s17 =	sshll.u32 s0, $0xA;
	s2 =	sadd.s32 s3, s2  }
0x8d: {  	s2 =	sadd.s32 s2, s17  }
0x8e: {  	[smem:$0x3FC6] =	sst s2  }
0x8f: {  	_ = 	snop  }
0x90: {  	s2 =	sld [smem:$0x3FD0];
	(tm) =	ssettm $0x1  }
0x91: {  	s18 =	sld [smem:$0x3FFB];
	_ =	sdelay $0x3  }
0x92: {  	_ =	strace s18  }
0x93: {  	s3 =	sld [smem:$0x3FFC];
	_ =	sdelay $0x3  }
0x94: {  	_ =	strace s3  }
0x95: {  	s3 =	sld [smem:$0x3FFD];
	_ =	sdelay $0x3  }
0x96: {  	_ =	strace s3  }
0x97: {  	_ =	strace $0x8FFFFFFF  }
0x98: {  	s19 =	sld [smem:$0x3FDB];
	_ =	sdelay $0x1  }
0x99: {  	s4 =	simm.s32 $_scs_section_size  }
0x9a: {  	s5 =	simm.s32 $_size__tile_overlayer_lowered;
	s6 =	simm.s32 $_tile_overlayer_lowered  }
0x9b: {  	s22 =	simm.s32 $0x1BFF;
	s21 =	sshll.u32 s6, $0x1;
	s3 =	sadd.s32 s4, s19  }
0x9c: {  	s7 =	simm.s32 $0x0;
	s20 =	sshll.u32 s5, $0x1;
	s5 =	sadd.s32 s21, s3  }
0x9d: {  	[timem:s7], [sflag:s22] =	dma.local [hbm:s5], s20  }
0x9e: {  	_ =	swait.ge [sflag:s22], s20  }
0x9f: {  	s4 =	ssub.s32 $0x0, s20;
	[sflag:s22] =	ssyncset.done $0x0  }
0xa0: {  	[sflag:s22] =	ssyncadd.s32 s4;
	_ =	sdelay $0x1  }
0xa1: {  	s23 =	simm.s32 $0x1B8B  }
0xa2: {  	_ =	swait.ge [sflag:s23], $0x1  }
0xa3: {  	[sflag:s23] =	ssyncset.done $0x0  }
0xa4: {  	s25 =	simm.s32 $0x1B8E;
	s24 =	sld [smem:$0x3FFE];
	[sflag:s23] =	ssyncadd.s32 $0xFFFFFFFF  }
0xa5: {  	s26 =	simm.s32 $execute0_lowered;
	[smem:$0x3FD2] =	sst s25  }
0xa6: {  	s5 =	sshll.u32 s26, $0x1;
	_ =	strace $0x8000004C;
	[dreg:$0x1] =	wrdreg $0xFFFFFFFF  }
0xa7: {  	s28 =	simm.s32 $_size_execute0_lowered;
	s3 =	sadd.s32 s3, s5;
	[dreg:$0x0] =	wrdreg $0x0  }
0xa8: {  	s5 =	sshll.u32 s28, $0x1;
	[dreg:$0x2] =	wrdreg s3  }
0xa9: {  	[dreg:$0x3] =	wrdreg s5  }
0xaa: {  	[dreg:$0x4] =	wrdreg $0xC0  }
0xab: {  	_ =	task [dreg:s7], $0x5FFFF  }
0xac: {  	[dreg:$0x1] =	wrdreg $0xFFFFFFFF  }
0xad: {  	[dreg:$0x0] =	wrdreg $0x60  }
0xae: {  	[dreg:$0x2] =	wrdreg s2  }
0xaf: {  	[dreg:$0x3] =	wrdreg s24  }
0xb0: {  	[dreg:$0x4] =	wrdreg $0x9  }
0xb1: {  	_ =	task.clear_ibuf [dreg:s7], $0x5FFFF;
	_ =	strace $0x9000004C  }
0xb2: {  	s29 =	simm.s32 $0x9;
	_ =	strace $0x8000004E  }
0xb3: {  	_ =	swait.ge [sflag:s29], $0x1  }
0xb4: {  	[sflag:s29] =	ssyncadd.s32 $0xFFFFFFFF  }
0xb5: {  	_ =	strace $0x9000004E  }
0xb6: {  	_ =	sfence  }
0xb7: {  	s30 =	sld [smem:$0x0];
	_ =	sdelay $0x2  }
0xb8: {  	s31 =	sshll.u32 s1, $0xD;
	s1 =	sshrl.u32 s1, $0x2  }
0xb9: {  	s3 =	sand.u32 $0x4000, s31;
	s1 =	sadd.s32 s1, s30  }
0xba: {  	s0 =	sor.u32 s3, s0;
	s1 =	sshll.u32 s1, $0x11  }
0xbb: {  	s0 =	sor.u32 s1, s0  }
0xbc: {  	s0 =	sadd.s32 $0x8F2B, s0  }
0xbd: {  	[sflag:s0] =	ssyncadd.remote.s32 $0x1  }
0xbe: {  	_ =	sfence.sel $0xFFFF  }
0xbf: {  	[dreg:$0x0] =	wrdreg $0xFFFFFFFF;
	(pc) =	sbr.abs _section_cstart, $3  }
0xc0: {  	[dreg:$0x1] =	wrdreg $0xFFFFFFFF  }
0xc1: {  	_ =	task.clear_ibuf [dreg:s7], $0x2FFFF;
	_ =	strace $0x9FFFFFFF  }
0xc2: {  	(tm) =	ssettm $0x7FFFFFFF  }
0xc3: {  	_ =	shalt  }
tec
execute0_lowered:
.L_overlay_start_1:
0x0: {  	(tag) =	ssettag $0x1  }
0x1: {  	s1 =	rddreg [dreg:$0x0]  }
0x2: {  	s6 =	rddreg [dreg:$0x1]  }
0x3: {  	s0 =	rddreg [dreg:$0x2];
	s4 =	srdreg.scid;
	s3 =	simm.s32 $0x0  }
0x4: {  	s2 =	stileid.u32;
	s10 =	simm.s32 $0x2;
	s11 =	simm.s32 $0x4  }
0x5: {  	s12 =	simm.s32 $0x3;
	s13 =	simm.s32 $0x0;
	s4 =	sand.u32 $0x1, s4  }
.Ltmp0:
0x6: {  	[smem:$0x7FF] =	sst s3;
	s5 =	sshll.u32 s2, $0x13;
	(pc) =	sbr.rel .LBB2_1-.Ltmp0, $4  }
0x7: {  	s7 =	sshll.u32 s4, $0x12;
	_ =	strace $0x8000004D;
	s8 =	ssub.s32 $0x2, s4  }
0x8: {  	s4 =	sor.u32 s7, s5;
	s5 =	sadd.s32 $0xC00, s6;
	s31 =	sshrl.u32 s8, $0x1  }
0x9: {  	s6 =	sadd.s32 $0x100C00, s6;
	s9 =	sshrl.u32 s4, $0x3;
	s8 =	ssub.s32 s8, s31  }
0xa: {  	s7 =	sadd.s32 s1, s9;
	s8 =	smax.u32 s8, $0x1;
	s9 =	simm.s32 $0x1  }
.LBB2_24:
0xb: {  	s13 =	sadd.s32 $0x1, s13  }
0xc: {  	p0 =	sne.s32 s13, s8  }
.Ltmp1:
0xd: {  	_ = 	snop;
	(pc) =	sbr.rel @!p0 .LBB2_25-.Ltmp1, $4  }
0xe: {  	_ = 	snop  }
0xf: {  	_ =	swait.ge [sflag:s11], $0x8000  }
0x10: {  	[sflag:s11] =	ssyncset.done $0x0  }
0x11: {  	[sflag:s11] =	ssyncadd.s32 $0xFFFF8000  }
.LBB2_1:
0x12: {  	s14 =	sadd.s32 $0x0, s7  }
0x13: {  	[tilespmem:s3], [sflag:$0x1] =	stream.linear.gather [hbm4b:s14+s3], $0x80, $0x38;
	[tilespmem:$0x18000] =	vst v63  }
0x14: {  	s16 =	simm.s32 $0x0;
	s14 =	simm.s32 $0x10  }
.LBB2_2:
0x15: {  	p0 =	sne.s32 s14, $0xFF0  }
.Ltmp2:
0x16: {  	_ = 	snop;
	(pc) =	sbr.rel @p0 .LBB2_2-.Ltmp2, $4  }
0x17: {  	_ = 	snop  }
0x18: {  	s17 =	sadd.s32 s14, s7;
	s16 =	sadd.s32 $0x100, s16  }
0x19: {  	s15 =	simm.s32 $0x0;
	s14 =	sadd.s32 $0x10, s14  }
0x1a: {  	[tilespmem:s16], [sflag:$0x1] =	stream.linear.gather [hbm4b:s17+s15], $0x80, $0x38;
	[tilespmem:$0x18000] =	vst v63  }
.Ltmp3:
0x1b: {  	_ = 	snop;
	(pc) =	sbr.rel .LBB2_3-.Ltmp3, $1  }
0x1c: {  	_ =	sdelay $0x3  }
.LBB2_22:
0x1d: {  	[hbm4b:s19+s3] =	stream.linear.scatter [tilespmem:s16], [sflag:$0x4], $0x80, $0x38;
	[tilespmem:$0x18000] =	vst v63  }
.LBB2_23:
0x1e: {  	p0 =	sne.s32 s14, $0x20  }
.Ltmp4:
0x1f: {  	_ = 	snop;
	(pc) =	sbr.rel @!p0 .LBB2_24-.Ltmp4, $2  }
0x20: {  	_ =	sdelay $0x2  }
0x21: {  	s15 =	smov.u32 s14  }
.LBB2_3:
0x22: {  	p0 =	seq.s32 s15, $0x0  }
.Ltmp5:
0x23: {  	_ = 	snop;
	(pc) =	sbr.rel @p0 .LBB2_9-.Ltmp5, $2  }
0x24: {  	_ =	sdelay $0x2  }
0x25: {  	s17 =	sand.u32 $0x1, s15;
	s14 =	sadd.s32 $0x1, s15  }
0x26: {  	p0 =	seq.s32 s15, $0x1F  }
.Ltmp6:
0x27: {  	_ = 	snop;
	(pc) =	sbr.rel @p0 .LBB2_18-.Ltmp6, $2  }
0x28: {  	_ =	sdelay $0x2  }
0x29: {  	s16 =	simm.s32 $0x3  }
0x2a: {  	s16 =	sand.u32 $0x1, s14  }
0x2b: {  	p0 =	seq.s32 s16, $0x1  }
.Ltmp7:
0x2c: {  	_ = 	snop;
	(pc) =	sbr.rel @!p0 .LBB2_6-.Ltmp7, $1  }
0x2d: {  	_ =	sdelay $0x3  }
.Ltmp8:
0x2e: {  	(pc) =	sbr.rel .LBB2_9-.Ltmp8, $4  }
0x2f: {  	_ = 	snop  }
0x30: {  	_ =	swait.ge [sflag:s11], $0x8000  }
0x31: {  	[sflag:s11] =	ssyncset.done $0x0  }
0x32: {  	[sflag:s11] =	ssyncadd.s32 $0xFFFF8000  }
.LBB2_6:
0x33: {  	s16 =	sshll.u32 s14, $0x17  }
0x34: {  	s18 =	sshll.u32 s14, $0xD;
	s16 =	sand.u32 $0x1000000, s16  }
0x35: {  	s18 =	sand.u32 $0x78000, s18;
	s16 =	sor.u32 s4, s16  }
0x36: {  	s16 =	sadd.s32 s18, s16  }
0x37: {  	_ =	swait.ge [sflag:s12], $0x8000;
	s19 =	simm.s32 $0x10;
	s16 =	sshrl.u32 s16, $0x3  }
0x38: {  	s20 =	simm.s32 $0x100;
	[sflag:s12] =	ssyncset.done $0x0;
	s16 =	sadd.s32 s1, s16  }
0x39: {  	[sflag:s12] =	ssyncadd.s32 $0xFFFF8000;
	s18 =	simm.s32 $0x0;
	s21 =	sadd.s32 $0x0, s16  }
.LBB2_7:
0x3a: {  	[tilespmem:s18], [sflag:$0x1] =	stream.linear.gather [hbm4b:s21+s3], $0x80, $0x38;
	[tilespmem:$0x18000] =	vst v63  }
0x3b: {  	s21 =	smov.u32 s19;
	s18 =	smov.u32 s20;
	p0 =	sne.s32 s19, $0xFF0  }
.Ltmp9:
0x3c: {  	s19 =	sadd.s32 $0x10, s19;
	(pc) =	sbr.rel @p0 .LBB2_7-.Ltmp9, $2  }
0x3d: {  	_ =	sdelay $0x2  }
0x3e: {  	s20 =	sadd.s32 $0x100, s20;
	s21 =	sadd.s32 s21, s16  }
0x3f: {  	p0 =	sne.s32 s17, $0x0  }
.Ltmp10:
0x40: {  	_ = 	snop;
	(pc) =	sbr.rel @p0 .LBB2_12-.Ltmp10, $2  }
0x41: {  	_ =	sdelay $0x2  }
0x42: {  	[tilespmem:s18], [sflag:$0x1] =	stream.linear.gather [hbm4b:s21+s3], $0x80, $0x38;
	[tilespmem:$0x18000] =	vst v63  }
.LBB2_9:
0x43: {  	s16 =	sshll.u32 s14, $0x17  }
0x44: {  	s18 =	sshll.u32 s14, $0xD;
	s16 =	sand.u32 $0x1800000, s16  }
0x45: {  	s18 =	sand.u32 $0x78000, s18;
	s16 =	sor.u32 s4, s16  }
0x46: {  	s16 =	sadd.s32 s18, s16  }
0x47: {  	s16 =	sshrl.u32 s16, $0x3  }
0x48: {  	s19 =	simm.s32 $0x10;
	s16 =	sadd.s32 s1, s16  }
0x49: {  	s20 =	simm.s32 $0x180;
	s18 =	simm.s32 $0x80;
	s21 =	sadd.s32 $0x0, s16  }
.LBB2_10:
0x4a: {  	[tilespmem:s18], [sflag:$0x2] =	stream.linear.gather [hbm4b:s21+s3], $0x80, $0x38;
	[tilespmem:$0x18000] =	vst v63  }
0x4b: {  	s21 =	smov.u32 s19;
	s18 =	smov.u32 s20;
	p0 =	sne.s32 s19, $0xFF0  }
.Ltmp11:
0x4c: {  	s19 =	sadd.s32 $0x10, s19;
	(pc) =	sbr.rel @p0 .LBB2_10-.Ltmp11, $2  }
0x4d: {  	_ =	sdelay $0x2  }
0x4e: {  	s20 =	sadd.s32 $0x100, s20;
	s21 =	sadd.s32 s21, s16  }
0x4f: {  	[tilespmem:s18], [sflag:$0x2] =	stream.linear.gather [hbm4b:s21+s3], $0x80, $0x38;
	[tilespmem:$0x18000] =	vst v63  }
.LBB2_12:
0x50: {  	s16 =	sand.u32 $0x3, s15  }
0x51: {  	p0 =	sne.s32 s16, $0x0  }
0x52: {  	s18 =	sshll.u32 @!p0 s15, $0xD  }
0x53: {  	s18 =	sadd.s32 @!p0 s4, s18  }
0x54: {  	p1 =	seq.s32 s17, $0x1;
	s18 =	sshrl.u32 @!p0 s18, $0x3  }
0x55: {  	s19 =	simm.s32 @!p0 $0x0;
	s20 =	simm.s32 @!p0 $0x10000;
	s18 =	sadd.s32 @!p0 s5, s18  }
0x56: {  	[tilespmem:s20], [sflag:$0x5] =	stream.linear.gather @!p0 [hbm4b:s18+s19], $0x8000, $0x38;
	[tilespmem:$0x18000] =	vst v63  }
.Ltmp12:
0x57: {  	_ = 	snop;
	(pc) =	sbr.rel @p1 .LBB2_18-.Ltmp12, $4  }
0x58: {  	s18 =	simm.s32 @!p0 $0x5  }
0x59: {  	_ =	swait.ge @!p0 [sflag:s18], $0x8000  }
0x5a: {  	[sflag:s18] =	ssyncset.done @!p0 $0x0  }
0x5b: {  	[sflag:s18] =	ssyncadd.s32 @!p0 $0xFFFF8000  }
0x5c: {  	_ =	swait.ge [sflag:s9], $0x8000  }
0x5d: {  	[sflag:s9] =	ssyncset.done $0x0  }
0x5e: {  	s18 =	simm.s32 $0x40;
	[sflag:s9] =	ssyncadd.s32 $0xFFFF8000  }
0x5f: {  	s19 =	simm.s32 $0x10040;
	v0 =	vld [tilespmem:s18+$0xFFFFFFC0]  }
0x60: {  	v1 =	vld [tilespmem:s19+$0xFFFFFFC0];
	_ =	sdelay $0x4  }
0x61: {  	v0 =	vadd.f32 v1, v0;
	_ =	sdelay $0x1  }
0x62: {  	[tilespmem:s18+$0xFFFFFFC0] =	vst v0;
	v0 =	vld [tilespmem:s18+$0xFFFFFFD0]  }
0x63: {  	v1 =	vld [tilespmem:s19+$0xFFFFFFD0];
	_ =	sdelay $0x4  }
0x64: {  	v0 =	vadd.f32 v1, v0;
	_ =	sdelay $0x1  }
0x65: {  	[tilespmem:s18+$0xFFFFFFD0] =	vst v0;
	v0 =	vld [tilespmem:s18+$0xFFFFFFE0]  }
0x66: {  	v1 =	vld [tilespmem:s19+$0xFFFFFFE0];
	_ =	sdelay $0x4  }
0x67: {  	v0 =	vadd.f32 v1, v0;
	_ =	sdelay $0x1  }
0x68: {  	[tilespmem:s18+$0xFFFFFFE0] =	vst v0;
	v0 =	vld [tilespmem:s18+$0xFFFFFFF0]  }
0x69: {  	v1 =	vld [tilespmem:s19+$0xFFFFFFF0];
	_ =	sdelay $0x4  }
0x6a: {  	v0 =	vadd.f32 v1, v0;
	_ =	sdelay $0x1  }
0x6b: {  	[tilespmem:s18+$0xFFFFFFF0] =	vst v0;
	v0 =	vld [tilespmem:s18+$0x0]  }
0x6c: {  	v1 =	vld [tilespmem:s19+$0x0];
	_ =	sdelay $0x4  }
0x6d: {  	v0 =	vadd.f32 v1, v0;
	_ =	sdelay $0x1  }
0x6e: {  	[tilespmem:s18+$0x0] =	vst v0;
	v0 =	vld [tilespmem:s18+$0x10]  }
0x6f: {  	v1 =	vld [tilespmem:s19+$0x10];
	_ =	sdelay $0x4  }
0x70: {  	v0 =	vadd.f32 v1, v0;
	_ =	sdelay $0x1  }
0x71: {  	[tilespmem:s18+$0x10] =	vst v0;
	v0 =	vld [tilespmem:s18+$0x20]  }
0x72: {  	v1 =	vld [tilespmem:s19+$0x20];
	_ =	sdelay $0x4  }
0x73: {  	v0 =	vadd.f32 v1, v0;
	_ =	sdelay $0x1  }
0x74: {  	[tilespmem:s18+$0x20] =	vst v0;
	v0 =	vld [tilespmem:s18+$0x30]  }
0x75: {  	v1 =	vld [tilespmem:s19+$0x30];
	_ =	sdelay $0x4  }
0x76: {  	v0 =	vadd.f32 v1, v0  }
0x77: {  	s20 =	simm.s32 $0x0;
	s21 =	simm.s32 $0x140  }
.LBB2_14:
0x78: {  	v1 =	vld [tilespmem:s21+$0xFFFFFFC0];
	[tilespmem:s18+$0x30] =	vst v0;
	s19 =	sadd.s32 $0x80, s19;
	s18 =	smov.u32 s21  }
0x79: {  	s20 =	sadd.s32 $0x8, s20;
	v0 =	vld [tilespmem:s19+$0xFFFFFFC0]  }
0x7a: {  	p0 =	slt.u32 s20, $0x7F8;
	_ =	sdelay $0x3  }
0x7b: {  	v0 =	vadd.f32 v0, v1;
	_ =	sdelay $0x1  }
0x7c: {  	[tilespmem:s21+$0xFFFFFFC0] =	vst v0;
	v0 =	vld [tilespmem:s21+$0xFFFFFFD0]  }
0x7d: {  	v1 =	vld [tilespmem:s19+$0xFFFFFFD0];
	_ =	sdelay $0x4  }
0x7e: {  	v0 =	vadd.f32 v1, v0;
	_ =	sdelay $0x1  }
0x7f: {  	[tilespmem:s21+$0xFFFFFFD0] =	vst v0;
	v0 =	vld [tilespmem:s21+$0xFFFFFFE0]  }
0x80: {  	v1 =	vld [tilespmem:s19+$0xFFFFFFE0];
	_ =	sdelay $0x4  }
0x81: {  	v0 =	vadd.f32 v1, v0;
	_ =	sdelay $0x1  }
0x82: {  	[tilespmem:s21+$0xFFFFFFE0] =	vst v0;
	v0 =	vld [tilespmem:s21+$0xFFFFFFF0]  }
0x83: {  	v1 =	vld [tilespmem:s19+$0xFFFFFFF0];
	_ =	sdelay $0x4  }
0x84: {  	v0 =	vadd.f32 v1, v0;
	_ =	sdelay $0x1  }
0x85: {  	[tilespmem:s21+$0xFFFFFFF0] =	vst v0;
	v0 =	vld [tilespmem:s21+$0x0]  }
0x86: {  	v1 =	vld [tilespmem:s19+$0x0];
	_ =	sdelay $0x4  }
0x87: {  	v0 =	vadd.f32 v1, v0;
	_ =	sdelay $0x1  }
0x88: {  	[tilespmem:s21+$0x0] =	vst v0;
	v0 =	vld [tilespmem:s21+$0x10]  }
0x89: {  	v1 =	vld [tilespmem:s19+$0x10];
	_ =	sdelay $0x4  }
0x8a: {  	v0 =	vadd.f32 v1, v0;
	_ =	sdelay $0x1  }
0x8b: {  	[tilespmem:s21+$0x10] =	vst v0;
	v0 =	vld [tilespmem:s21+$0x20]  }
0x8c: {  	v1 =	vld [tilespmem:s19+$0x20];
	_ =	sdelay $0x4  }
0x8d: {  	v0 =	vadd.f32 v1, v0;
	_ =	sdelay $0x1  }
0x8e: {  	[tilespmem:s21+$0x20] =	vst v0;
	v0 =	vld [tilespmem:s21+$0x30]  }
0x8f: {  	v1 =	vld [tilespmem:s19+$0x30];
	_ =	sdelay $0x1  }
.Ltmp13:
0x90: {  	(pc) =	sbr.rel @p0 .LBB2_14-.Ltmp13, $3  }
0x91: {  	_ =	sdelay $0x1  }
0x92: {  	v0 =	vadd.f32 v1, v0  }
0x93: {  	s21 =	sadd.s32 $0x100, s21  }
0x94: {  	s19 =	sshll.u32 s15, $0xD  }
0x95: {  	s20 =	sshll.u32 s16, $0x17;
	s19 =	sand.u32 $0x38000, s19  }
0x96: {  	s19 =	sor.u32 s19, s20  }
0x97: {  	s19 =	sor.u32 s4, s19  }
0x98: {  	s19 =	sshrl.u32 s19, $0x3  }
0x99: {  	[tilespmem:s18+$0x30] =	vst v0;
	s18 =	simm.s32 $0x10;
	s19 =	sadd.s32 s6, s19  }
0x9a: {  	s21 =	simm.s32 $0x100;
	s20 =	simm.s32 $0x0;
	s22 =	sadd.s32 $0x0, s19  }
.LBB2_16:
0x9b: {  	[hbm4b:s22+s3] =	stream.linear.scatter [tilespmem:s20], [sflag:$0x3], $0x80, $0x38;
	[tilespmem:$0x18000] =	vst v63  }
0x9c: {  	s22 =	smov.u32 s18;
	s20 =	smov.u32 s21;
	p0 =	sne.s32 s18, $0xFF0  }
.Ltmp14:
0x9d: {  	s18 =	sadd.s32 $0x10, s18;
	(pc) =	sbr.rel @p0 .LBB2_16-.Ltmp14, $2  }
0x9e: {  	_ =	sdelay $0x2  }
0x9f: {  	s21 =	sadd.s32 $0x100, s21;
	s22 =	sadd.s32 s22, s19  }
0xa0: {  	p0 =	seq.s32 s17, $0x0  }
.Ltmp15:
0xa1: {  	_ = 	snop;
	(pc) =	sbr.rel @p0 .LBB2_23-.Ltmp15, $2  }
0xa2: {  	_ =	sdelay $0x2  }
0xa3: {  	[hbm4b:s22+s3] =	stream.linear.scatter [tilespmem:s20], [sflag:$0x3], $0x80, $0x38;
	[tilespmem:$0x18000] =	vst v63  }
.LBB2_18:
0xa4: {  	_ =	swait.ge [sflag:s10], $0x8000  }
0xa5: {  	[sflag:s10] =	ssyncset.done $0x0  }
0xa6: {  	s17 =	simm.s32 $0xF0;
	[sflag:s10] =	ssyncadd.s32 $0xFFFF8000  }
0xa7: {  	s18 =	simm.s32 $0x10040;
	v0 =	vld [tilespmem:s17+$0xFFFFFF90]  }
0xa8: {  	v1 =	vld [tilespmem:s18+$0xFFFFFFC0];
	_ =	sdelay $0x4  }
0xa9: {  	v0 =	vadd.f32 v1, v0;
	_ =	sdelay $0x1  }
0xaa: {  	[tilespmem:s17+$0xFFFFFF90] =	vst v0;
	v0 =	vld [tilespmem:s17+$0xFFFFFFA0]  }
0xab: {  	v1 =	vld [tilespmem:s18+$0xFFFFFFD0];
	_ =	sdelay $0x4  }
0xac: {  	v0 =	vadd.f32 v1, v0;
	_ =	sdelay $0x1  }
0xad: {  	[tilespmem:s17+$0xFFFFFFA0] =	vst v0;
	v0 =	vld [tilespmem:s17+$0xFFFFFFB0]  }
0xae: {  	v1 =	vld [tilespmem:s18+$0xFFFFFFE0];
	_ =	sdelay $0x4  }
0xaf: {  	v0 =	vadd.f32 v1, v0;
	_ =	sdelay $0x1  }
0xb0: {  	[tilespmem:s17+$0xFFFFFFB0] =	vst v0;
	v0 =	vld [tilespmem:s17+$0xFFFFFFC0]  }
0xb1: {  	v1 =	vld [tilespmem:s18+$0xFFFFFFF0];
	_ =	sdelay $0x4  }
0xb2: {  	v0 =	vadd.f32 v1, v0;
	_ =	sdelay $0x1  }
0xb3: {  	[tilespmem:s17+$0xFFFFFFC0] =	vst v0;
	v0 =	vld [tilespmem:s17+$0xFFFFFFD0]  }
0xb4: {  	v1 =	vld [tilespmem:s18+$0x0];
	_ =	sdelay $0x4  }
0xb5: {  	v0 =	vadd.f32 v1, v0;
	_ =	sdelay $0x1  }
0xb6: {  	[tilespmem:s17+$0xFFFFFFD0] =	vst v0;
	v0 =	vld [tilespmem:s17+$0xFFFFFFE0]  }
0xb7: {  	v1 =	vld [tilespmem:s18+$0x10];
	_ =	sdelay $0x4  }
0xb8: {  	v0 =	vadd.f32 v1, v0;
	_ =	sdelay $0x1  }
0xb9: {  	[tilespmem:s17+$0xFFFFFFE0] =	vst v0;
	v0 =	vld [tilespmem:s17+$0xFFFFFFF0]  }
0xba: {  	v1 =	vld [tilespmem:s18+$0x20];
	_ =	sdelay $0x4  }
0xbb: {  	v0 =	vadd.f32 v1, v0;
	_ =	sdelay $0x1  }
0xbc: {  	[tilespmem:s17+$0xFFFFFFF0] =	vst v0;
	v0 =	vld [tilespmem:s17+$0x0]  }
0xbd: {  	v1 =	vld [tilespmem:s18+$0x30];
	_ =	sdelay $0x4  }
0xbe: {  	v0 =	vadd.f32 v1, v0  }
0xbf: {  	s19 =	simm.s32 $0x0;
	s20 =	simm.s32 $0x1F0  }
.LBB2_19:
0xc0: {  	v1 =	vld [tilespmem:s20+$0xFFFFFF90];
	[tilespmem:s17+$0x0] =	vst v0;
	s18 =	sadd.s32 $0x80, s18;
	s17 =	smov.u32 s20  }
0xc1: {  	s19 =	sadd.s32 $0x8, s19;
	v0 =	vld [tilespmem:s18+$0xFFFFFFC0]  }
0xc2: {  	p0 =	slt.u32 s19, $0x7F8;
	_ =	sdelay $0x3  }
0xc3: {  	v0 =	vadd.f32 v0, v1;
	_ =	sdelay $0x1  }
0xc4: {  	[tilespmem:s20+$0xFFFFFF90] =	vst v0;
	v0 =	vld [tilespmem:s20+$0xFFFFFFA0]  }
0xc5: {  	v1 =	vld [tilespmem:s18+$0xFFFFFFD0];
	_ =	sdelay $0x4  }
0xc6: {  	v0 =	vadd.f32 v1, v0;
	_ =	sdelay $0x1  }
0xc7: {  	[tilespmem:s20+$0xFFFFFFA0] =	vst v0;
	v0 =	vld [tilespmem:s20+$0xFFFFFFB0]  }
0xc8: {  	v1 =	vld [tilespmem:s18+$0xFFFFFFE0];
	_ =	sdelay $0x4  }
0xc9: {  	v0 =	vadd.f32 v1, v0;
	_ =	sdelay $0x1  }
0xca: {  	[tilespmem:s20+$0xFFFFFFB0] =	vst v0;
	v0 =	vld [tilespmem:s20+$0xFFFFFFC0]  }
0xcb: {  	v1 =	vld [tilespmem:s18+$0xFFFFFFF0];
	_ =	sdelay $0x4  }
0xcc: {  	v0 =	vadd.f32 v1, v0;
	_ =	sdelay $0x1  }
0xcd: {  	[tilespmem:s20+$0xFFFFFFC0] =	vst v0;
	v0 =	vld [tilespmem:s20+$0xFFFFFFD0]  }
0xce: {  	v1 =	vld [tilespmem:s18+$0x0];
	_ =	sdelay $0x4  }
0xcf: {  	v0 =	vadd.f32 v1, v0;
	_ =	sdelay $0x1  }
0xd0: {  	[tilespmem:s20+$0xFFFFFFD0] =	vst v0;
	v0 =	vld [tilespmem:s20+$0xFFFFFFE0]  }
0xd1: {  	v1 =	vld [tilespmem:s18+$0x10];
	_ =	sdelay $0x4  }
0xd2: {  	v0 =	vadd.f32 v1, v0;
	_ =	sdelay $0x1  }
0xd3: {  	[tilespmem:s20+$0xFFFFFFE0] =	vst v0;
	v0 =	vld [tilespmem:s20+$0xFFFFFFF0]  }
0xd4: {  	v1 =	vld [tilespmem:s18+$0x20];
	_ =	sdelay $0x4  }
0xd5: {  	v0 =	vadd.f32 v1, v0;
	_ =	sdelay $0x1  }
0xd6: {  	[tilespmem:s20+$0xFFFFFFF0] =	vst v0;
	v0 =	vld [tilespmem:s20+$0x0]  }
0xd7: {  	v1 =	vld [tilespmem:s18+$0x30];
	_ =	sdelay $0x1  }
.Ltmp16:
0xd8: {  	(pc) =	sbr.rel @p0 .LBB2_19-.Ltmp16, $3  }
0xd9: {  	_ =	sdelay $0x1  }
0xda: {  	v0 =	vadd.f32 v1, v0  }
0xdb: {  	s20 =	sadd.s32 $0x100, s20  }
0xdc: {  	s15 =	sshll.u32 s15, $0xD  }
0xdd: {  	s16 =	sshll.u32 s16, $0x17;
	s15 =	sand.u32 $0x38000, s15  }
0xde: {  	s15 =	sor.u32 s15, s16  }
0xdf: {  	s15 =	sor.u32 s4, s15  }
0xe0: {  	s15 =	sshrl.u32 s15, $0x3  }
0xe1: {  	[tilespmem:s17+$0x0] =	vst v0;
	s17 =	simm.s32 $0x10;
	s15 =	sadd.s32 s6, s15  }
0xe2: {  	s18 =	simm.s32 $0x180;
	s16 =	simm.s32 $0x80;
	s19 =	sadd.s32 $0x0, s15  }
.LBB2_21:
0xe3: {  	[hbm4b:s19+s3] =	stream.linear.scatter [tilespmem:s16], [sflag:$0x4], $0x80, $0x38;
	[tilespmem:$0x18000] =	vst v63  }
0xe4: {  	s19 =	smov.u32 s17;
	s16 =	smov.u32 s18;
	p0 =	sne.s32 s17, $0xFF0  }
.Ltmp17:
0xe5: {  	s17 =	sadd.s32 $0x10, s17;
	(pc) =	sbr.rel @p0 .LBB2_21-.Ltmp17, $2  }
0xe6: {  	_ =	sdelay $0x2  }
0xe7: {  	s18 =	sadd.s32 $0x100, s18;
	s19 =	sadd.s32 s19, s15  }
.Ltmp18:
0xe8: {  	_ = 	snop;
	(pc) =	sbr.rel .LBB2_22-.Ltmp18, $1  }
0xe9: {  	_ =	sdelay $0x3  }
.LBB2_25:
0xea: {  	_ =	sfence.sel $0x180000  }
0xeb: {  	[bflag:$0x0] =	sbarrier.arrive $0xFFFF  }
0xec: {  	p0 =	sne.s32 s2, $0x0;
	_ =	strace $0x9000004D  }
0xed: {  	s0 =	sadd.s32 @!p0 $0x100000, s0;
	[bflag:$0x2] =	sbarrier.arrive $0xFFFF  }
0xee: {  	[sflag:s0] =	ssyncadd.tile.s32 @!p0 $0x1;
	_ =	shalt  }
.Lfunc_end2:
_tile_overlayer_lowered:
.L_overlay_start_2:
0xef: {  	(tag) =	ssettag $0x2  }
0xf0: {  	s0 =	rddreg [dreg:$0x0];
	s2 =	stileid.u32  }
0xf1: {  	s1 =	rddreg [dreg:$0x1];
	p0 =	sne.s32 s2, $0x0  }
0xf2: {  	s3 =	rddreg [dreg:$0x2];
	[bflag:$0x3] =	sbarrier.arrive $0xFFFF;
	s2 =	simm.s32 @!p0 $0x1C05  }
0xf3: {  	[timem:s3], [sflag:s2] =	dma.local @!p0 [hbm:s0], s1  }
0xf4: {  	s0 =	simm.s32 @!p0 $0x5  }
0xf5: {  	_ =	swait.ge @!p0 [sflag:s0], s1  }
0xf6: {  	s1 =	ssub.s32 @!p0 $0x0, s1;
	[sflag:s0] =	ssyncset.done @!p0 $0x0  }
0xf7: {  	[sflag:s0] =	ssyncadd.s32 @!p0 s1  }
0xf8: {  	[bflag:$0x3] =	sbarrier.arrive $0xFFFF  }
0xf9: {  	_ =	shalt  }

// kernel: sparse-core-data-format-call.1.cloned.1.call-start
scs
called_computation.1_lowered:
.L_overlay_start_0:
0x0: {  	s2 =	sld [smem:$0x3FD9]  }
0x1: {  	s3 =	sld [smem:$0x3FFE];
	_ =	sdelay $0x1  }
0x2: {  	s1 =	srdreg.scid  }
0x3: {  	s0 =	sand.u32 $0x1, s1  }
0x4: {  	s19 =	sshll.u32 s0, $0xA;
	s2 =	sadd.s32 s3, s2  }
0x5: {  	s2 =	sadd.s32 s2, s19  }
0x6: {  	[smem:$0x3FC6] =	sst s2  }
0x7: {  	_ = 	snop  }
0x8: {  	s20 =	sld [smem:$0x3FC9]  }
0x9: {  	s4 =	sld [smem:$0x3FD0];
	(tm) =	ssettm $0x1  }
0xa: {  	s21 =	sld [smem:$0x3FFB];
	_ =	sdelay $0x3  }
0xb: {  	_ =	strace s21  }
0xc: {  	s2 =	sld [smem:$0x3FFC];
	_ =	sdelay $0x3  }
0xd: {  	_ =	strace s2  }
0xe: {  	s2 =	sld [smem:$0x3FFD];
	_ =	sdelay $0x3  }
0xf: {  	_ =	strace s2  }
0x10: {  	_ =	strace $0x8FFFFFFF  }
0x11: {  	s22 =	sld [smem:$0x3FDB];
	_ =	sdelay $0x1  }
0x12: {  	s5 =	simm.s32 $_scs_section_size  }
0x13: {  	s6 =	simm.s32 $_size__tile_overlayer_lowered;
	s7 =	simm.s32 $_tile_overlayer_lowered  }
0x14: {  	s8 =	simm.s32 $0x1BFF;
	s23 =	sshll.u32 s7, $0x1;
	s5 =	sadd.s32 s5, s22  }
0x15: {  	s24 =	simm.s32 $0x0;
	s6 =	sshll.u32 s6, $0x1;
	s7 =	sadd.s32 s23, s5  }
0x16: {  	[timem:s24], [sflag:s8] =	dma.local [hbm:s7], s6  }
0x17: {  	_ =	swait.ge [sflag:s8], s6  }
0x18: {  	s6 =	ssub.s32 $0x0, s6;
	[sflag:s8] =	ssyncset.done $0x0  }
0x19: {  	[sflag:s8] =	ssyncadd.s32 s6;
	_ =	sdelay $0x1  }
0x1a: {  	s25 =	simm.s32 $0x1B8B  }
0x1b: {  	_ =	swait.ge [sflag:s25], $0x1  }
0x1c: {  	[sflag:s25] =	ssyncset.done $0x0  }
0x1d: {  	[sflag:s25] =	ssyncadd.s32 $0xFFFFFFFF  }
0x1e: {  	s6 =	sld [smem:$0x0]  }
0x1f: {  	s7 =	sand.u32 $0xFFFFFFFE, s1  }
0x20: {  	p0 =	sne.s32 s1, s7  }
0x21: {  	s7 =	sshll.u32 @p0 s7, $0xE  }
0x22: {  	s7 =	sadd.s32 @p0 $0x11B8D, s7;
	s8 =	sshll.u32 @p0 s6, $0x11  }
0x23: {  	s7 =	sor.u32 @p0 s8, s7  }
0x24: {  	[sflag:s7] =	ssyncadd.remote.s32 @p0 $0x1;
	_ =	sdelay $0x1  }
0x25: {  	s7 =	simm.s32 @p0 $0x1B8D  }
0x26: {  	_ =	swait.eq @p0 [sflag:s7], $0x1  }
0x27: {  	[sflag:s7] =	ssyncadd.s32 @p0 $0xFFFFFFFF  }
0x28: {  	s8 =	sshll.u32 @!p0 s1, $0xE  }
0x29: {  	s8 =	sor.u32 @!p0 $0x4000, s8;
	s7 =	simm.s32 @!p0 $0x1B8D  }
0x2a: {  	s6 =	sshll.u32 @!p0 s6, $0x11;
	s8 =	sadd.s32 @!p0 $0x11B8D, s8;
	_ =	swait.eq @!p0 [sflag:s7], $0x1  }
0x2b: {  	s6 =	sor.u32 @!p0 s6, s8;
	[sflag:s7] =	ssyncadd.s32 @!p0 $0xFFFFFFFF  }
0x2c: {  	s26 =	simm.s32 $0x1B8E;
	[sflag:s6] =	ssyncadd.remote.s32 @!p0 $0x1  }
0x2d: {  	s27 =	simm.s32 $execute0_lowered;
	[smem:$0x3FD2] =	sst s26  }
0x2e: {  	s6 =	sshll.u32 s27, $0x1;
	_ =	strace $0x80000049;
	[dreg:$0x1] =	wrdreg $0xFFFFFFFF  }
0x2f: {  	s28 =	simm.s32 $_size_execute0_lowered;
	s5 =	sadd.s32 s5, s6;
	[dreg:$0x0] =	wrdreg $0x0  }
0x30: {  	s6 =	sshll.u32 s28, $0x1;
	[dreg:$0x2] =	wrdreg s5  }
0x31: {  	[dreg:$0x3] =	wrdreg s6  }
0x32: {  	[dreg:$0x4] =	wrdreg $0xC0  }
0x33: {  	_ =	task [dreg:s24], $0x5FFFF  }
0x34: {  	[dreg:$0x1] =	wrdreg $0xFFFFFFFF  }
0x35: {  	[dreg:$0x0] =	wrdreg $0x60  }
0x36: {  	[dreg:$0x2] =	wrdreg s20  }
0x37: {  	[dreg:$0x3] =	wrdreg s4  }
0x38: {  	[dreg:$0x4] =	wrdreg $0xA  }
0x39: {  	_ =	task.clear_ibuf [dreg:s24], $0x5FFFF;
	_ =	strace $0x90000049  }
0x3a: {  	s29 =	simm.s32 $0xA;
	_ =	strace $0x8000004B  }
0x3b: {  	_ =	swait.ge [sflag:s29], $0x1  }
0x3c: {  	[sflag:s29] =	ssyncadd.s32 $0xFFFFFFFF  }
0x3d: {  	_ =	strace $0x9000004B  }
0x3e: {  	_ =	sfence  }
0x3f: {  	s30 =	sld [smem:$0x0];
	_ =	sdelay $0x2  }
0x40: {  	s31 =	sshll.u32 s1, $0xD;
	s1 =	sshrl.u32 s1, $0x2  }
0x41: {  	s4 =	sand.u32 $0x4000, s31;
	s1 =	sadd.s32 s1, s30  }
0x42: {  	s0 =	sor.u32 s4, s0;
	s1 =	sshll.u32 s1, $0x11  }
0x43: {  	s0 =	sor.u32 s1, s0  }
0x44: {  	s0 =	sadd.s32 $0x8F2B, s0  }
0x45: {  	[sflag:s0] =	ssyncadd.remote.s32 $0x1  }
0x46: {  	_ =	sfence.sel $0xFFFF  }
0x47: {  	[dreg:$0x0] =	wrdreg $0xFFFFFFFF;
	(pc) =	sbr.abs _section_cstart, $3  }
0x48: {  	[dreg:$0x1] =	wrdreg $0xFFFFFFFF  }
0x49: {  	_ =	task.clear_ibuf [dreg:s24], $0x2FFFF;
	_ =	strace $0x9FFFFFFF  }
0x4a: {  	(tm) =	ssettm $0x7FFFFFFF  }
0x4b: {  	_ =	shalt  }
tec
execute0_lowered:
.L_overlay_start_1:
0x0: {  	(tag) =	ssettag $0x1  }
0x1: {  	s0 =	srdreg.scid  }
0x2: {  	s1 =	sshll.u32 s0, $0x4  }
0x3: {  	s2 =	rddreg [dreg:$0x0];
	s0 =	stileid.u32;
	s1 =	sand.u32 $0x10, s1  }
0x4: {  	s4 =	rddreg [dreg:$0x1];
	s1 =	sor.u32 s0, s1  }
0x5: {  	s7 =	simm.s32 $0x1;
	s8 =	simm.s32 $0x2;
	s3 =	sshll.u32 s1, $0x1  }
0x6: {  	s9 =	simm.s32 $0x0;
	s12 =	simm.s32 $0x0;
	s6 =	ssub.s32 $0x1000, s3  }
.Ltmp0:
0x7: {  	s11 =	simm.s32 $0x0;
	s5 =	sand.u32 $0x3E, s6;
	(pc) =	sbr.rel .LBB1_1-.Ltmp0, $4  }
0x8: {  	s1 =	rddreg [dreg:$0x2];
	_ =	strace $0x8000004A;
	p0 =	sne.s32 s5, $0x0  }
0x9: {  	s6 =	sshrl.u32 s6, $0x6;
	s5 =	simm.s32 $0x1;
	s7 =	simm.s32 @!p0 $0x0  }
0xa: {  	s10 =	smov.u32 s3;
	[sflag:s5] =	ssyncpa.u1 $0x0;
	s6 =	sadd.s32 s7, s6  }
0xb: {  	[sflag:s8] =	ssyncpa.u1 $0x0;
	s8 =	simm.s32 $0x0;
	s7 =	sadd.s32 $0x1, s6  }
.LBB1_9:
0xc: {  	s14 =	sadd.s32 $0x40, s10  }
0xd: {  	p1 =	sgt.s32 s14, $0xFFF  }
0xe: {  	s14 =	smov.u32 @p1 s3;
	p1 =	sne.s32 s11, s7  }
.Ltmp1:
0xf: {  	p0 =	slt.u32 s11, $0x2;
	(pc) =	sbr.rel @!p1 .LBB1_10-.Ltmp1, $4  }
0x10: {  	s13 =	simm.s32 @!p0 $0x2  }
0x11: {  	s15 =	sadd.s32 $0x1, s11;
	_ =	swait.ge @!p0 [sflag:s13], $0x4000  }
0x12: {  	s12 =	smov.u32 s10;
	s9 =	sadd.s32 $0x4000, s9;
	[sflag:s13] =	ssyncset.done @!p0 $0x0  }
0x13: {  	s11 =	smov.u32 s15;
	s10 =	smov.u32 s14;
	[sflag:s13] =	ssyncadd.s32 @!p0 $0xFFFFC000  }
.LBB1_1:
0x14: {  	p0 =	sge.u32 s11, s6  }
0x15: {  	s13 =	sxor.u32 @!p0 $0xFFFFFFFF, s11  }
0x16: {  	s31 =	sadd.s32 $0xFFFFFFFF, s11;
	s14 =	sshll.u32 @!p0 s10, $0xA;
	s13 =	sshll.u32 @!p0 s13, $0xE  }
0x17: {  	s15 =	simm.s32 @!p0 $0x0;
	s14 =	sadd.s32 @!p0 s2, s14;
	s13 =	sand.u32 @!p0 $0x4000, s13  }
0x18: {  	[tilespmem:s13], [sflag:$0x1] =	stream.linear.gather @!p0 [hbm4b:s14+s15], $0x4000, $0x38;
	[tilespmem:$0x10000] =	vst v63  }
0x19: {  	p0 =	sge.u32 s31, s6  }
.Ltmp2:
0x1a: {  	_ = 	snop;
	(pc) =	sbr.rel @p0 .LBB1_9-.Ltmp2, $1  }
0x1b: {  	_ =	sdelay $0x3  }
0x1c: {  	s13 =	sshll.u32 s9, $0x2  }
0x1d: {  	_ =	swait.ge [sflag:s5], $0x4000;
	s14 =	sshll.u32 s11, $0xE;
	s16 =	simm.s32 $0x0  }
0x1e: {  	p1 =	por $0x1, $0x1;
	s13 =	sand.u32 $0x10000, s13;
	[sflag:s5] =	ssyncset.done $0x0  }
0x1f: {  	s14 =	sand.u32 $0x4000, s14;
	s15 =	sshrl.u32 s13, $0x2;
	[sflag:s5] =	ssyncadd.s32 $0xFFFFC000  }
0x20: {  	s13 =	sor.u32 $0x8000, s14;
	s14 =	sadd.s32 $0x8040, s15;
	s15 =	sadd.s32 $0x40, s15  }
.LBB1_3:
0x21: {  	s16 =	sshll.u32 s16, $0x2  }
0x22: {  	p0 =	por p1, p1;
	s17 =	sshra.s32 s16, $0x2  }
0x23: {  	s18 =	simm.s32 $0x0;
	s16 =	sadd.s32 s17, s14;
	s17 =	sadd.s32 s17, s15  }
.LBB1_4:
0x24: {  	v0 =	vmov s17;
	_ =	sdelay $0x3  }
0x25: {  	s20 =	simm.s32 $0x0  }
0x26: {  	v6 =	vld.idx.msk [tilespmem:v0+s20+$0x30 ss:$0x1], $0xffff  }
0x27: {  	v7 =	vld.idx.msk [tilespmem:v0+s20+$0xFFFFFFC0 ss:$0x1], $0xffff  }
0x28: {  	v5 =	vld.idx.msk [tilespmem:v0+s20+$0xFFFFFFD0 ss:$0x1], $0xffff  }
0x29: {  	v4 =	vld.idx.msk [tilespmem:v0+s20+$0xFFFFFFE0 ss:$0x1], $0xffff  }
0x2a: {  	v3 =	vld.idx.msk [tilespmem:v0+s20+$0xFFFFFFF0 ss:$0x1], $0xffff  }
0x2b: {  	v1 =	vld.idx.msk [tilespmem:v0+s20+$0x0 ss:$0x1], $0xffff  }
0x2c: {  	v2 =	vld.idx.msk [tilespmem:v0+s20+$0x10 ss:$0x1], $0xffff;
	[tilespmem:s16+$0x30] =	vst v6  }
0x2d: {  	s19 =	simm.s32 $0x80;
	s21 =	simm.s32 $0x400;
	[tilespmem:s16+$0xFFFFFFC0] =	vst v7;
	v6 =	vld.idx.msk [tilespmem:v0+s20+$0x20 ss:$0x1], $0xffff;
	s20 =	smov.u32 s16  }
.LBB1_5:
0x2e: {  	p1 =	sne.s32 s21, $0xE00;
	v7 =	vld.idx.msk [tilespmem:v0+s19+$0x30 ss:$0x1], $0xffff;
	[tilespmem:s20+$0xFFFFFFD0] =	vst v5  }
0x2f: {  	v8 =	vld.idx.msk [tilespmem:v0+s19+$0xFFFFFFC0 ss:$0x1], $0xffff;
	[tilespmem:s20+$0xFFFFFFE0] =	vst v4  }
0x30: {  	v5 =	vld.idx.msk [tilespmem:v0+s19+$0xFFFFFFD0 ss:$0x1], $0xffff;
	[tilespmem:s20+$0xFFFFFFF0] =	vst v3  }
.Ltmp3:
0x31: {  	v4 =	vld.idx.msk [tilespmem:v0+s19+$0xFFFFFFE0 ss:$0x1], $0xffff;
	[tilespmem:s20+$0x0] =	vst v1;
	(pc) =	sbr.rel @p1 .LBB1_5-.Ltmp3, $4  }
0x32: {  	v3 =	vld.idx.msk [tilespmem:v0+s19+$0xFFFFFFF0 ss:$0x1], $0xffff;
	[tilespmem:s20+$0x10] =	vst v2  }
0x33: {  	v1 =	vld.idx.msk [tilespmem:v0+s19+$0x0 ss:$0x1], $0xffff;
	[tilespmem:s20+$0x20] =	vst v6;
	s20 =	sadd.s32 $0x400, s20  }
0x34: {  	v2 =	vld.idx.msk [tilespmem:v0+s19+$0x10 ss:$0x1], $0xffff;
	[tilespmem:s20+$0x30] =	vst v7  }
0x35: {  	[tilespmem:s20+$0xFFFFFFC0] =	vst v8;
	v6 =	vld.idx.msk [tilespmem:v0+s19+$0x20 ss:$0x1], $0xffff;
	s19 =	sshra.s32 s21, $0x2;
	s21 =	sadd.s32 $0x200, s21  }
0x36: {  	_ =	sdelay $0x2  }
0x37: {  	[tilespmem:s20+$0xFFFFFFD0] =	vst v5  }
0x38: {  	v56 =	vld.idx.msk [tilespmem:v0+s19+$0x30 ss:$0x1], $0xffff;
	[tilespmem:s20+$0xFFFFFFE0] =	vst v4  }
0x39: {  	v57 =	vld.idx.msk [tilespmem:v0+s19+$0xFFFFFFC0 ss:$0x1], $0xffff;
	[tilespmem:s20+$0xFFFFFFF0] =	vst v3  }
0x3a: {  	v58 =	vld.idx.msk [tilespmem:v0+s19+$0xFFFFFFD0 ss:$0x1], $0xffff;
	[tilespmem:s20+$0x0] =	vst v1  }
0x3b: {  	v59 =	vld.idx.msk [tilespmem:v0+s19+$0xFFFFFFE0 ss:$0x1], $0xffff;
	[tilespmem:s20+$0x10] =	vst v2  }
0x3c: {  	v60 =	vld.idx.msk [tilespmem:v0+s19+$0xFFFFFFF0 ss:$0x1], $0xffff;
	s31 =	sadd.s32 $0x400, s20;
	[tilespmem:s20+$0x20] =	vst v6  }
0x3d: {  	v61 =	vld.idx.msk [tilespmem:v0+s19+$0x0 ss:$0x1], $0xffff;
	[tilespmem:s31+$0x30] =	vst v56  }
0x3e: {  	v62 =	vld.idx.msk [tilespmem:v0+s19+$0x10 ss:$0x1], $0xffff;
	s18 =	sadd.s32 $0x1, s18;
	[tilespmem:s31+$0xFFFFFFC0] =	vst v57  }
0x3f: {  	v63 =	vld.idx.msk [tilespmem:v0+s19+$0x20 ss:$0x1], $0xffff;
	p1 =	sne.s32 s18, $0x8;
	[tilespmem:s31+$0xFFFFFFD0] =	vst v58  }
.Ltmp4:
0x40: {  	[tilespmem:s31+$0xFFFFFFE0] =	vst v59;
	(pc) =	sbr.rel @p1 .LBB1_4-.Ltmp4, $4  }
0x41: {  	[tilespmem:s31+$0xFFFFFFF0] =	vst v60  }
0x42: {  	[tilespmem:s31+$0x0] =	vst v61  }
0x43: {  	[tilespmem:s31+$0x10] =	vst v62  }
0x44: {  	s16 =	sadd.s32 $0x80, s16;
	s17 =	sadd.s32 $0x400, s17;
	[tilespmem:s31+$0x20] =	vst v63  }
.Ltmp5:
0x45: {  	(pc) =	sbr.rel @p0 .LBB1_3-.Ltmp5, $2  }
0x46: {  	_ =	sdelay $0x2  }
0x47: {  	s16 =	simm.s32 $0x2000;
	p1 =	por $0x0, $0x0  }
.Ltmp6:
0x48: {  	(pc) =	sbr.rel .LBB1_9-.Ltmp6, $4  }
0x49: {  	_ = 	snop  }
0x4a: {  	s12 =	sshll.u32 s12, $0xA  }
0x4b: {  	s12 =	sadd.s32 s4, s12  }
0x4c: {  	[hbm4b:s12+s8] =	stream.linear.scatter [tilespmem:s13], [sflag:$0x2], $0x4000, $0x38;
	[tilespmem:$0x10000] =	vst v63  }
.LBB1_10:
0x4d: {  	_ =	sfence.sel $0x180000  }
0x4e: {  	s2 =	simm.s32 $0x1;
	[bflag:$0x0] =	sbarrier.arrive $0xFFFF  }
0x4f: {  	s31 =	simm.s32 $0x2;
	[sflag:s2] =	ssyncpa.u1 $0x1  }
0x50: {  	[sflag:s31] =	ssyncpa.u1 $0x1  }
0x51: {  	p0 =	sne.s32 s0, $0x0;
	_ =	strace $0x9000004A  }
0x52: {  	s0 =	sadd.s32 @!p0 $0x100000, s1;
	[bflag:$0x2] =	sbarrier.arrive $0xFFFF  }
0x53: {  	[sflag:s0] =	ssyncadd.tile.s32 @!p0 $0x1;
	_ =	shalt  }
.Lfunc_end1:
_tile_overlayer_lowered:
.L_overlay_start_2:
0x54: {  	(tag) =	ssettag $0x2  }
0x55: {  	s0 =	rddreg [dreg:$0x0];
	s2 =	stileid.u32  }
0x56: {  	s1 =	rddreg [dreg:$0x1];
	p0 =	sne.s32 s2, $0x0  }
0x57: {  	s3 =	rddreg [dreg:$0x2];
	[bflag:$0x3] =	sbarrier.arrive $0xFFFF;
	s2 =	simm.s32 @!p0 $0x1C01  }
0x58: {  	[timem:s3], [sflag:s2] =	dma.local @!p0 [hbm:s0], s1  }
0x59: {  	s0 =	simm.s32 @!p0 $0x1  }
0x5a: {  	_ =	swait.ge @!p0 [sflag:s0], s1  }
0x5b: {  	s1 =	ssub.s32 @!p0 $0x0, s1;
	[sflag:s0] =	ssyncset.done @!p0 $0x0  }
0x5c: {  	[sflag:s0] =	ssyncadd.s32 @!p0 s1  }
0x5d: {  	[bflag:$0x3] =	sbarrier.arrive $0xFFFF  }
0x5e: {  	_ =	shalt  }

// kernel: sparse-core-data-format-call.cloned.1.call-start
scs
called_computation_lowered:
.L_overlay_start_0:
0x0: {  	s2 =	sld [smem:$0x3FD9]  }
0x1: {  	s3 =	sld [smem:$0x3FFE];
	_ =	sdelay $0x1  }
0x2: {  	s1 =	srdreg.scid  }
0x3: {  	s0 =	sand.u32 $0x1, s1  }
0x4: {  	s18 =	sshll.u32 s0, $0xA;
	s2 =	sadd.s32 s3, s2  }
0x5: {  	s2 =	sadd.s32 s2, s18  }
0x6: {  	[smem:$0x3FC6] =	sst s2  }
0x7: {  	_ = 	snop  }
0x8: {  	s2 =	sld [smem:$0x3FC8];
	(tm) =	ssettm $0x1  }
0x9: {  	s19 =	sld [smem:$0x3FFB];
	_ =	sdelay $0x3  }
0xa: {  	_ =	strace s19  }
0xb: {  	s3 =	sld [smem:$0x3FFC];
	_ =	sdelay $0x3  }
0xc: {  	_ =	strace s3  }
0xd: {  	s3 =	sld [smem:$0x3FFD];
	_ =	sdelay $0x3  }
0xe: {  	_ =	strace s3  }
0xf: {  	_ =	strace $0x8FFFFFFF  }
0x10: {  	s20 =	sld [smem:$0x3FDB];
	_ =	sdelay $0x1  }
0x11: {  	s4 =	simm.s32 $_scs_section_size  }
0x12: {  	s5 =	simm.s32 $_size__tile_overlayer_lowered;
	s6 =	simm.s32 $_tile_overlayer_lowered  }
0x13: {  	s23 =	simm.s32 $0x1BFF;
	s22 =	sshll.u32 s6, $0x1;
	s3 =	sadd.s32 s4, s20  }
0x14: {  	s7 =	simm.s32 $0x0;
	s21 =	sshll.u32 s5, $0x1;
	s5 =	sadd.s32 s22, s3  }
0x15: {  	[timem:s7], [sflag:s23] =	dma.local [hbm:s5], s21  }
0x16: {  	_ =	swait.ge [sflag:s23], s21  }
0x17: {  	s4 =	ssub.s32 $0x0, s21;
	[sflag:s23] =	ssyncset.done $0x0  }
0x18: {  	[sflag:s23] =	ssyncadd.s32 s4;
	_ =	sdelay $0x1  }
0x19: {  	s24 =	simm.s32 $0x1B8B  }
0x1a: {  	_ =	swait.ge [sflag:s24], $0x1  }
0x1b: {  	[sflag:s24] =	ssyncset.done $0x0  }
0x1c: {  	s26 =	simm.s32 $0x1B8E;
	s25 =	sld [smem:$0x3FFE];
	[sflag:s24] =	ssyncadd.s32 $0xFFFFFFFF  }
0x1d: {  	s27 =	simm.s32 $execute0_lowered;
	[smem:$0x3FD2] =	sst s26  }
0x1e: {  	s5 =	sshll.u32 s27, $0x1;
	_ =	strace $0x80000046;
	[dreg:$0x1] =	wrdreg $0xFFFFFFFF  }
0x1f: {  	s28 =	simm.s32 $_size_execute0_lowered;
	s3 =	sadd.s32 s3, s5;
	[dreg:$0x0] =	wrdreg $0x0  }
0x20: {  	s5 =	sshll.u32 s28, $0x1;
	[dreg:$0x2] =	wrdreg s3  }
0x21: {  	[dreg:$0x3] =	wrdreg s5  }
0x22: {  	[dreg:$0x4] =	wrdreg $0xC0  }
0x23: {  	_ =	task [dreg:s7], $0x5FFFF  }
0x24: {  	[dreg:$0x1] =	wrdreg $0xFFFFFFFF  }
0x25: {  	[dreg:$0x0] =	wrdreg $0x60  }
0x26: {  	[dreg:$0x2] =	wrdreg s2  }
0x27: {  	[dreg:$0x3] =	wrdreg s25  }
0x28: {  	[dreg:$0x4] =	wrdreg $0x9  }
0x29: {  	_ =	task.clear_ibuf [dreg:s7], $0x5FFFF;
	_ =	strace $0x90000046  }
0x2a: {  	s29 =	simm.s32 $0x9;
	_ =	strace $0x80000048  }
0x2b: {  	_ =	swait.ge [sflag:s29], $0x1  }
0x2c: {  	[sflag:s29] =	ssyncadd.s32 $0xFFFFFFFF  }
0x2d: {  	_ =	strace $0x90000048  }
0x2e: {  	_ =	sfence  }
0x2f: {  	s30 =	sld [smem:$0x0];
	_ =	sdelay $0x2  }
0x30: {  	s31 =	sshll.u32 s1, $0xD;
	s1 =	sshrl.u32 s1, $0x2  }
0x31: {  	s3 =	sand.u32 $0x4000, s31;
	s1 =	sadd.s32 s1, s30  }
0x32: {  	s0 =	sor.u32 s3, s0;
	s1 =	sshll.u32 s1, $0x11  }
0x33: {  	s0 =	sor.u32 s1, s0  }
0x34: {  	s0 =	sadd.s32 $0x8F2B, s0  }
0x35: {  	[sflag:s0] =	ssyncadd.remote.s32 $0x1  }
0x36: {  	_ =	sfence.sel $0xFFFF  }
0x37: {  	[dreg:$0x0] =	wrdreg $0xFFFFFFFF;
	(pc) =	sbr.abs _section_cstart, $3  }
0x38: {  	[dreg:$0x1] =	wrdreg $0xFFFFFFFF  }
0x39: {  	_ =	task.clear_ibuf [dreg:s7], $0x2FFFF;
	_ =	strace $0x9FFFFFFF  }
0x3a: {  	(tm) =	ssettm $0x7FFFFFFF  }
0x3b: {  	_ =	shalt  }
tec
execute0_lowered:
.L_overlay_start_1:
0x0: {  	(tag) =	ssettag $0x1  }
0x1: {  	s0 =	srdreg.scid  }
0x2: {  	s1 =	sshll.u32 s0, $0x4  }
0x3: {  	s2 =	rddreg [dreg:$0x0];
	s0 =	stileid.u32;
	s1 =	sand.u32 $0x10, s1  }
0x4: {  	s4 =	rddreg [dreg:$0x1];
	s7 =	simm.s32 $0x1;
	s1 =	sor.u32 s0, s1  }
0x5: {  	s8 =	simm.s32 $0x2;
	s9 =	simm.s32 $0x0;
	s3 =	sshll.u32 s1, $0x1  }
0x6: {  	s12 =	simm.s32 $0x0;
	s11 =	simm.s32 $0x0;
	s6 =	ssub.s32 $0x400, s3  }
.Ltmp0:
0x7: {  	s4 =	sadd.s32 $0xC00, s4;
	s5 =	sand.u32 $0x3E, s6;
	(pc) =	sbr.rel .LBB1_1-.Ltmp0, $4  }
0x8: {  	s1 =	rddreg [dreg:$0x2];
	_ =	strace $0x80000047;
	p0 =	sne.s32 s5, $0x0  }
0x9: {  	s6 =	sshrl.u32 s6, $0x6;
	s5 =	simm.s32 $0x1;
	s7 =	simm.s32 @!p0 $0x0  }
0xa: {  	s10 =	smov.u32 s3;
	[sflag:s5] =	ssyncpa.u1 $0x0;
	s6 =	sadd.s32 s7, s6  }
0xb: {  	[sflag:s8] =	ssyncpa.u1 $0x0;
	s8 =	simm.s32 $0x0;
	s7 =	sadd.s32 $0x1, s6  }
.LBB1_9:
0xc: {  	s14 =	sadd.s32 $0x40, s10  }
0xd: {  	p1 =	sgt.s32 s14, $0x3FF  }
0xe: {  	s14 =	smov.u32 @p1 s3;
	p1 =	sne.s32 s11, s7  }
.Ltmp1:
0xf: {  	p0 =	slt.u32 s11, $0x2;
	(pc) =	sbr.rel @!p1 .LBB1_10-.Ltmp1, $4  }
0x10: {  	s13 =	simm.s32 @!p0 $0x2  }
0x11: {  	s15 =	sadd.s32 $0x1, s11;
	_ =	swait.ge @!p0 [sflag:s13], $0x4000  }
0x12: {  	s12 =	smov.u32 s10;
	s9 =	sadd.s32 $0x4000, s9;
	[sflag:s13] =	ssyncset.done @!p0 $0x0  }
0x13: {  	s11 =	smov.u32 s15;
	s10 =	smov.u32 s14;
	[sflag:s13] =	ssyncadd.s32 @!p0 $0xFFFFC000  }
.LBB1_1:
0x14: {  	p0 =	sge.u32 s11, s6  }
0x15: {  	s13 =	sxor.u32 @!p0 $0xFFFFFFFF, s11  }
0x16: {  	s31 =	sadd.s32 $0xFFFFFFFF, s11;
	s14 =	sshll.u32 @!p0 s10, $0xA;
	s13 =	sshll.u32 @!p0 s13, $0xE  }
0x17: {  	s15 =	simm.s32 @!p0 $0x0;
	s14 =	sadd.s32 @!p0 s2, s14;
	s13 =	sand.u32 @!p0 $0x4000, s13  }
0x18: {  	[tilespmem:s13], [sflag:$0x1] =	stream.linear.gather @!p0 [hbm4b:s14+s15], $0x4000, $0x38;
	[tilespmem:$0x10000] =	vst v63  }
0x19: {  	p0 =	sge.u32 s31, s6  }
.Ltmp2:
0x1a: {  	_ = 	snop;
	(pc) =	sbr.rel @p0 .LBB1_9-.Ltmp2, $1  }
0x1b: {  	_ =	sdelay $0x3  }
0x1c: {  	s13 =	sshll.u32 s9, $0x2  }
0x1d: {  	_ =	swait.ge [sflag:s5], $0x4000;
	s14 =	sshll.u32 s11, $0xE;
	s16 =	simm.s32 $0x0  }
0x1e: {  	p1 =	por $0x1, $0x1;
	s13 =	sand.u32 $0x10000, s13;
	[sflag:s5] =	ssyncset.done $0x0  }
0x1f: {  	s14 =	sand.u32 $0x4000, s14;
	s15 =	sshrl.u32 s13, $0x2;
	[sflag:s5] =	ssyncadd.s32 $0xFFFFC000  }
0x20: {  	s13 =	sor.u32 $0x8000, s14;
	s14 =	sadd.s32 $0x8040, s15;
	s15 =	sadd.s32 $0x40, s15  }
.LBB1_3:
0x21: {  	s16 =	sshll.u32 s16, $0x2  }
0x22: {  	p0 =	por p1, p1;
	s17 =	sshra.s32 s16, $0x2  }
0x23: {  	s18 =	simm.s32 $0x0;
	s16 =	sadd.s32 s17, s14;
	s17 =	sadd.s32 s17, s15  }
.LBB1_4:
0x24: {  	v0 =	vmov s17;
	_ =	sdelay $0x3  }
0x25: {  	s20 =	simm.s32 $0x0  }
0x26: {  	v6 =	vld.idx.msk [tilespmem:v0+s20+$0x30 ss:$0x1], $0xffff  }
0x27: {  	v7 =	vld.idx.msk [tilespmem:v0+s20+$0xFFFFFFC0 ss:$0x1], $0xffff  }
0x28: {  	v5 =	vld.idx.msk [tilespmem:v0+s20+$0xFFFFFFD0 ss:$0x1], $0xffff  }
0x29: {  	v4 =	vld.idx.msk [tilespmem:v0+s20+$0xFFFFFFE0 ss:$0x1], $0xffff  }
0x2a: {  	v3 =	vld.idx.msk [tilespmem:v0+s20+$0xFFFFFFF0 ss:$0x1], $0xffff  }
0x2b: {  	v1 =	vld.idx.msk [tilespmem:v0+s20+$0x0 ss:$0x1], $0xffff  }
0x2c: {  	v2 =	vld.idx.msk [tilespmem:v0+s20+$0x10 ss:$0x1], $0xffff;
	[tilespmem:s16+$0x30] =	vst v6  }
0x2d: {  	s19 =	simm.s32 $0x80;
	s21 =	simm.s32 $0x400;
	[tilespmem:s16+$0xFFFFFFC0] =	vst v7;
	v6 =	vld.idx.msk [tilespmem:v0+s20+$0x20 ss:$0x1], $0xffff;
	s20 =	smov.u32 s16  }
.LBB1_5:
0x2e: {  	p1 =	sne.s32 s21, $0xE00;
	v7 =	vld.idx.msk [tilespmem:v0+s19+$0x30 ss:$0x1], $0xffff;
	[tilespmem:s20+$0xFFFFFFD0] =	vst v5  }
0x2f: {  	v8 =	vld.idx.msk [tilespmem:v0+s19+$0xFFFFFFC0 ss:$0x1], $0xffff;
	[tilespmem:s20+$0xFFFFFFE0] =	vst v4  }
0x30: {  	v5 =	vld.idx.msk [tilespmem:v0+s19+$0xFFFFFFD0 ss:$0x1], $0xffff;
	[tilespmem:s20+$0xFFFFFFF0] =	vst v3  }
.Ltmp3:
0x31: {  	v4 =	vld.idx.msk [tilespmem:v0+s19+$0xFFFFFFE0 ss:$0x1], $0xffff;
	[tilespmem:s20+$0x0] =	vst v1;
	(pc) =	sbr.rel @p1 .LBB1_5-.Ltmp3, $4  }
0x32: {  	v3 =	vld.idx.msk [tilespmem:v0+s19+$0xFFFFFFF0 ss:$0x1], $0xffff;
	[tilespmem:s20+$0x10] =	vst v2  }
0x33: {  	v1 =	vld.idx.msk [tilespmem:v0+s19+$0x0 ss:$0x1], $0xffff;
	[tilespmem:s20+$0x20] =	vst v6;
	s20 =	sadd.s32 $0x400, s20  }
0x34: {  	v2 =	vld.idx.msk [tilespmem:v0+s19+$0x10 ss:$0x1], $0xffff;
	[tilespmem:s20+$0x30] =	vst v7  }
0x35: {  	[tilespmem:s20+$0xFFFFFFC0] =	vst v8;
	v6 =	vld.idx.msk [tilespmem:v0+s19+$0x20 ss:$0x1], $0xffff;
	s19 =	sshra.s32 s21, $0x2;
	s21 =	sadd.s32 $0x200, s21  }
0x36: {  	_ =	sdelay $0x2  }
0x37: {  	[tilespmem:s20+$0xFFFFFFD0] =	vst v5  }
0x38: {  	v56 =	vld.idx.msk [tilespmem:v0+s19+$0x30 ss:$0x1], $0xffff;
	[tilespmem:s20+$0xFFFFFFE0] =	vst v4  }
0x39: {  	v57 =	vld.idx.msk [tilespmem:v0+s19+$0xFFFFFFC0 ss:$0x1], $0xffff;
	[tilespmem:s20+$0xFFFFFFF0] =	vst v3  }
0x3a: {  	v58 =	vld.idx.msk [tilespmem:v0+s19+$0xFFFFFFD0 ss:$0x1], $0xffff;
	[tilespmem:s20+$0x0] =	vst v1  }
0x3b: {  	v59 =	vld.idx.msk [tilespmem:v0+s19+$0xFFFFFFE0 ss:$0x1], $0xffff;
	[tilespmem:s20+$0x10] =	vst v2  }
0x3c: {  	v60 =	vld.idx.msk [tilespmem:v0+s19+$0xFFFFFFF0 ss:$0x1], $0xffff;
	s31 =	sadd.s32 $0x400, s20;
	[tilespmem:s20+$0x20] =	vst v6  }
0x3d: {  	v61 =	vld.idx.msk [tilespmem:v0+s19+$0x0 ss:$0x1], $0xffff;
	[tilespmem:s31+$0x30] =	vst v56  }
0x3e: {  	v62 =	vld.idx.msk [tilespmem:v0+s19+$0x10 ss:$0x1], $0xffff;
	s18 =	sadd.s32 $0x1, s18;
	[tilespmem:s31+$0xFFFFFFC0] =	vst v57  }
0x3f: {  	v63 =	vld.idx.msk [tilespmem:v0+s19+$0x20 ss:$0x1], $0xffff;
	p1 =	sne.s32 s18, $0x8;
	[tilespmem:s31+$0xFFFFFFD0] =	vst v58  }
.Ltmp4:
0x40: {  	[tilespmem:s31+$0xFFFFFFE0] =	vst v59;
	(pc) =	sbr.rel @p1 .LBB1_4-.Ltmp4, $4  }
0x41: {  	[tilespmem:s31+$0xFFFFFFF0] =	vst v60  }
0x42: {  	[tilespmem:s31+$0x0] =	vst v61  }
0x43: {  	[tilespmem:s31+$0x10] =	vst v62  }
0x44: {  	s16 =	sadd.s32 $0x80, s16;
	s17 =	sadd.s32 $0x400, s17;
	[tilespmem:s31+$0x20] =	vst v63  }
.Ltmp5:
0x45: {  	(pc) =	sbr.rel @p0 .LBB1_3-.Ltmp5, $2  }
0x46: {  	_ =	sdelay $0x2  }
0x47: {  	s16 =	simm.s32 $0x2000;
	p1 =	por $0x0, $0x0  }
.Ltmp6:
0x48: {  	(pc) =	sbr.rel .LBB1_9-.Ltmp6, $4  }
0x49: {  	_ = 	snop  }
0x4a: {  	s12 =	sshll.u32 s12, $0xA  }
0x4b: {  	s12 =	sadd.s32 s4, s12  }
0x4c: {  	[hbm4b:s12+s8] =	stream.linear.scatter [tilespmem:s13], [sflag:$0x2], $0x4000, $0x38;
	[tilespmem:$0x10000] =	vst v63  }
.LBB1_10:
0x4d: {  	_ =	sfence.sel $0x180000  }
0x4e: {  	s2 =	simm.s32 $0x1;
	[bflag:$0x0] =	sbarrier.arrive $0xFFFF  }
0x4f: {  	s31 =	simm.s32 $0x2;
	[sflag:s2] =	ssyncpa.u1 $0x1  }
0x50: {  	[sflag:s31] =	ssyncpa.u1 $0x1  }
0x51: {  	p0 =	sne.s32 s0, $0x0;
	_ =	strace $0x90000047  }
0x52: {  	s0 =	sadd.s32 @!p0 $0x100000, s1;
	[bflag:$0x2] =	sbarrier.arrive $0xFFFF  }
0x53: {  	[sflag:s0] =	ssyncadd.tile.s32 @!p0 $0x1;
	_ =	shalt  }
.Lfunc_end1:
_tile_overlayer_lowered:
.L_overlay_start_2:
0x54: {  	(tag) =	ssettag $0x2  }
0x55: {  	s0 =	rddreg [dreg:$0x0];
	s2 =	stileid.u32  }
0x56: {  	s1 =	rddreg [dreg:$0x1];
	p0 =	sne.s32 s2, $0x0  }
0x57: {  	s3 =	rddreg [dreg:$0x2];
	[bflag:$0x3] =	sbarrier.arrive $0xFFFF;
	s2 =	simm.s32 @!p0 $0x1C01  }
0x58: {  	[timem:s3], [sflag:s2] =	dma.local @!p0 [hbm:s0], s1  }
0x59: {  	s0 =	simm.s32 @!p0 $0x1  }
0x5a: {  	_ =	swait.ge @!p0 [sflag:s0], s1  }
0x5b: {  	s1 =	ssub.s32 @!p0 $0x0, s1;
	[sflag:s0] =	ssyncset.done @!p0 $0x0  }
0x5c: {  	[sflag:s0] =	ssyncadd.s32 @!p0 s1  }
0x5d: {  	[bflag:$0x3] =	sbarrier.arrive $0xFFFF  }
0x5e: {  	_ =	shalt  }

</sc_bundles>
